<compile_context>
chip_gen: v7x
topology: tpu7x:2x2x1
jax: 0.10.2.dev20260603
libtpu: 0.0.44.dev20260713+nightly
codegen_flags: <defaults>
</compile_context>

<pallas_src>
import functools

import jax
import jax.numpy as jnp
from jax import lax
from jax.experimental import pallas as pl
from jax.experimental.pallas import tpu as pltpu
from jax.experimental.pallas import tpu_sc as plsc

_N = 10000
_E = 320000
_D = 128

_NC = 2
_NS = 16
_NW = _NC * _NS
_C = 128
_CHUNKS = 80
_HC = 40
_EPAD = _NW * _CHUNKS * _C
_NP = 10240
_RPT = _NP // _NS


def _matmul_silu(x, w):
    def body(x_ref, w_ref, y_ref):
        z = jnp.dot(x_ref[...], w_ref[...], preferred_element_type=jnp.float32)
        y_ref[...] = z * jax.nn.sigmoid(z)

    return pl.pallas_call(
        body,
        out_shape=jax.ShapeDtypeStruct((_N, _D), jnp.float32),
    )(x, w)


def _combine(x, agg_parts, deg_parts):
    def body(x_ref, agg_ref, deg_ref, o_ref):
        agg = agg_ref[0, 0:_N, :] + agg_ref[1, 0:_N, :]
        deg = deg_ref[0, 0:_N, 0:1] + deg_ref[1, 0:_N, 0:1]
        o_ref[...] = x_ref[...] + agg / jnp.maximum(deg, 1.0)

    return pl.pallas_call(
        body,
        out_shape=jax.ShapeDtypeStruct((_N, _D), jnp.float32),
    )(x, agg_parts, deg_parts)


def _make_sc_scatter():
    mesh = plsc.VectorSubcoreMesh(core_axis_name="c", subcore_axis_name="s")

    @functools.partial(
        pl.kernel,
        mesh=mesh,
        out_type=(
            jax.ShapeDtypeStruct((_NC * _NP, _D), jnp.float32),
            jax.ShapeDtypeStruct((_NC * _NP, _D), jnp.float32),
        ),
        scratch_types=[
            pltpu.VMEM((_HC, _C), jnp.int32),
            pltpu.VMEM((_HC, _C), jnp.int32),
            pltpu.VMEM((_C,), jnp.int32),
            pltpu.VMEM((_C, _D), jnp.float32),
            pltpu.VMEM((_C, _D), jnp.float32),
            pltpu.VMEM_SHARED((_NP, _D), jnp.float32),
            pltpu.SemaphoreType.DMA,
            pltpu.SemaphoreType.DMA,
            pltpu.SemaphoreType.DMA,
            pltpu.SemaphoreType.DMA,
        ],
    )
    def sc_scatter(y_hbm, src_hbm, dst_hbm, zrow_hbm, ones_hbm, rid_hbm,
                   agg_out, deg_out,
                   src_v, dst_v, rid_v, rows_a, rows_b, agg_sh,
                   gsem_a, gsem_b, ssem_a, ssem_b):
        cid = lax.axis_index("c")
        sid = lax.axis_index("s")
        wid = sid * _NC + cid
        r0 = sid * _RPT

        pltpu.sync_copy(zrow_hbm, rows_a)

        def zinit(i, carry):
            pltpu.sync_copy(rid_hbm.at[pl.ds(r0 + i * _C, _C)], rid_v)
            pltpu.sync_copy(rows_a, agg_sh.at[rid_v])
            return carry

        lax.fori_loop(0, _RPT // _C, zinit, 0)
        plsc.subcore_barrier()

        for h in range(_CHUNKS // _HC):
            pltpu.sync_copy(src_hbm.at[wid, pl.ds(h * _HC, _HC)], src_v)
            pltpu.sync_copy(dst_hbm.at[wid, pl.ds(h * _HC, _HC)], dst_v)
            pltpu.async_copy(y_hbm.at[src_v.at[0]], rows_a, gsem_a)
            pltpu.async_copy(y_hbm.at[src_v.at[1]], rows_b, gsem_b)

            def chunk1(i, carry):
                j = 2 * i
                ja = jnp.minimum(j + 2, _HC - 1)
                jb = jnp.minimum(j + 3, _HC - 1)
                pltpu.make_async_copy(
                    y_hbm.at[src_v.at[j]], rows_a, gsem_a).wait()
                pltpu.async_copy(rows_a, agg_sh.at[dst_v.at[j]], ssem_a,
                                 add=True)
                pltpu.make_async_copy(
                    y_hbm.at[src_v.at[j + 1]], rows_b, gsem_b).wait()
                pltpu.async_copy(rows_b, agg_sh.at[dst_v.at[j + 1]], ssem_b,
                                 add=True)
                pltpu.make_async_copy(
                    rows_a, agg_sh.at[dst_v.at[j]], ssem_a).wait()
                pltpu.async_copy(y_hbm.at[src_v.at[ja]], rows_a, gsem_a)
                pltpu.make_async_copy(
                    rows_b, agg_sh.at[dst_v.at[j + 1]], ssem_b).wait()
                pltpu.async_copy(y_hbm.at[src_v.at[jb]], rows_b, gsem_b)
                return carry

            lax.fori_loop(0, _HC // 2, chunk1, 0)
            pltpu.make_async_copy(y_hbm.at[src_v.at[0]], rows_a, gsem_a).wait()
            pltpu.make_async_copy(y_hbm.at[src_v.at[0]], rows_b, gsem_b).wait()
        plsc.subcore_barrier()

        def wback1(i, carry):
            ro = r0 + i * _C
            pltpu.sync_copy(rid_hbm.at[pl.ds(ro, _C)], rid_v)
            pltpu.async_copy(agg_sh.at[rid_v], rows_a, gsem_a).wait()
            pltpu.sync_copy(rows_a, agg_out.at[pl.ds(cid * _NP + ro, _C)])
            return carry

        lax.fori_loop(0, _RPT // _C, wback1, 0)
        plsc.subcore_barrier()

        pltpu.sync_copy(zrow_hbm, rows_b)

        def zinit2(i, carry):
            pltpu.sync_copy(rid_hbm.at[pl.ds(r0 + i * _C, _C)], rid_v)
            pltpu.sync_copy(rows_b, agg_sh.at[rid_v])
            return carry

        lax.fori_loop(0, _RPT // _C, zinit2, 0)
        pltpu.sync_copy(ones_hbm, rows_a)
        plsc.subcore_barrier()

        for h in range(_CHUNKS // _HC):
            pltpu.sync_copy(dst_hbm.at[wid, pl.ds(h * _HC, _HC)], dst_v)

            def chunk2(j, carry):
                pltpu.async_copy(rows_a, agg_sh.at[dst_v.at[j]], ssem_a,
                                 add=True)
                return carry

            lax.fori_loop(0, _HC, chunk2, 0)

            def chunk2w(j, carry):
                pltpu.make_async_copy(
                    rows_a, agg_sh.at[dst_v.at[0]], ssem_a).wait()
                return carry

            lax.fori_loop(0, _HC, chunk2w, 0)
        plsc.subcore_barrier()

        def wback2(i, carry):
            ro = r0 + i * _C
            pltpu.sync_copy(rid_hbm.at[pl.ds(ro, _C)], rid_v)
            pltpu.async_copy(agg_sh.at[rid_v], rows_b, gsem_a).wait()
            pltpu.sync_copy(rows_b, deg_out.at[pl.ds(cid * _NP + ro, _C)])
            return carry

        lax.fori_loop(0, _RPT // _C, wback2, 0)

    return sc_scatter


_sc_scatter = _make_sc_scatter()


def kernel(x, edge_index, W):
    assert x.shape == (_N, _D) and edge_index.shape == (2, _E)
    y = _matmul_silu(x, W)
    pad = _EPAD - _E
    src = jnp.concatenate(
        [edge_index[0], jnp.zeros((pad,), jnp.int32)]).reshape(
            _NW, _CHUNKS, _C)
    dst = jnp.concatenate(
        [edge_index[1], jnp.full((pad,), _N, jnp.int32)]).reshape(
            _NW, _CHUNKS, _C)
    zrow = jnp.zeros((_C, _D), jnp.float32)
    ones = jnp.ones((_C, _D), jnp.float32)
    rids = jnp.arange(_NP, dtype=jnp.int32)
    agg_parts, deg_parts = _sc_scatter(y, src, dst, zrow, ones, rids)
    return _combine(x, agg_parts.reshape(_NC, _NP, _D),
                    deg_parts.reshape(_NC, _NP, _D))

# --- scband reference (transcript-rebuilt; emitter-appended) ---
"""Pipeline reference for scband-qhnet-77068893160101 (READ-ONLY COPY).

The authoritative reference and input builder live on the scoring server;
editing this copy changes nothing except your own understanding.
"""

import jax, jax.numpy as jnp
import numpy as np

N_NODES = 10000
N_EDGES = 320000
D_FEAT = 128

def setup_inputs(seed: int = 0) -> dict:
    key = jax.random.key(seed)
    k1, k2, k3 = jax.random.split(key, 3)
    x = jax.random.normal(k1, (N_NODES, D_FEAT), dtype=jnp.float32)
    edge_index = jax.random.randint(k2, (2, N_EDGES), 0, N_NODES, dtype=jnp.int32)
    W = jax.random.normal(k3, (D_FEAT, D_FEAT), dtype=jnp.float32) * 0.05
    return {"x": x, "edge_index": edge_index, "W": W}

def reference(x, edge_index, W):
    # One QHNet-style message-passing layer (gather -> transform -> nonlinearity -> scatter-add):
    # gather source node features along edges, apply a linear map + SiLU (QHNet act),
    # then scatter-add messages into destination nodes with degree normalization and residual.
    src = edge_index[0]
    dst = edge_index[1]
    msg = jnp.take(x, src, axis=0)          # [E, D] gather (memory-bound)
    msg = msg @ W                            # per-edge linear transform
    msg = jax.nn.silu(msg)                   # QHNet uses nn.SiLU()
    agg = jax.ops.segment_sum(msg, dst, num_segments=x.shape[0])  # scatter-add
    deg = jax.ops.segment_sum(jnp.ones_like(dst, dtype=x.dtype), dst, num_segments=x.shape[0])
    out = x + agg / jnp.maximum(deg, 1.0)[:, None]
    return out

if __name__ == "__main__":
    import jax
    _d = setup_inputs()
    print(jax.jit(kernel)(*tuple(_d.values())))

</pallas_src>

<mosaic_0001>
#map = affine_map<(d0, d1) -> (0, 0)>
#map1 = affine_map<(d0, d1) -> (0, 0, 0)>
#map2 = affine_map<(d0, d1) -> (0)>
module attributes {stable_mosaic.version = 14 : i64} {
  func.func @sc_scatter(%arg0: i32, %arg1: i32, %arg2: memref<10000x128xf32, #tpu.memory_space<hbm>>, %arg3: memref<32x80x128xi32, #tpu.memory_space<hbm>>, %arg4: memref<32x80x128xi32, #tpu.memory_space<hbm>>, %arg5: memref<128x128xf32, #tpu.memory_space<hbm>>, %arg6: memref<128x128xf32, #tpu.memory_space<hbm>>, %arg7: memref<10240xi32, #tpu.memory_space<hbm>>, %arg8: memref<20480x128xf32, #tpu.memory_space<hbm>>, %arg9: memref<20480x128xf32, #tpu.memory_space<hbm>>, %arg10: memref<40x128xi32, #tpu.memory_space<vmem>>, %arg11: memref<40x128xi32, #tpu.memory_space<vmem>>, %arg12: memref<128xi32, #tpu.memory_space<vmem>>, %arg13: memref<128x128xf32, #tpu.memory_space<vmem>>, %arg14: memref<128x128xf32, #tpu.memory_space<vmem>>, %arg15: memref<10240x128xf32, #tpu.memory_space<vmem_shared>>, %arg16: memref<!tpu.dma_semaphore, #tpu.memory_space<semaphore_mem>>, %arg17: memref<!tpu.dma_semaphore, #tpu.memory_space<semaphore_mem>>, %arg18: memref<!tpu.dma_semaphore, #tpu.memory_space<semaphore_mem>>, %arg19: memref<!tpu.dma_semaphore, #tpu.memory_space<semaphore_mem>>) attributes {dimension_semantics = [#tpu.dimension_semantics<core_parallel>, #tpu.dimension_semantics<subcore_parallel>], iteration_bounds = array<i64: 2, 16>, scalar_prefetch = 0 : i64, scratch_operands = 10 : i64, tpu.core_type = #tpu.core_type<sc_vector_subcore>, window_params = [{transform_indices = #map}, {transform_indices = #map1}, {transform_indices = #map1}, {transform_indices = #map}, {transform_indices = #map}, {transform_indices = #map2}, {transform_indices = #map}, {transform_indices = #map}]} {
    %mul3A = arith.constant 2 : i32
    %mul3A_0 = arith.muli %arg1, %mul3A : i32
    %add3A = arith.addi %mul3A_0, %arg0 : i32
    %mul3A_1 = arith.constant 640 : i32
    %mul3A_2 = arith.muli %arg1, %mul3A_1 : i32
    "tpu.region"() ({
      %run_scoped3A = tpu.sem_alloc : memref<!tpu.dma_semaphore, #tpu.memory_space<semaphore_mem>>
      tpu.enqueue_dma source(%arg5 : memref<128x128xf32, #tpu.memory_space<hbm>>) target(%arg13 : memref<128x128xf32, #tpu.memory_space<vmem>>) target_semaphore(%run_scoped3A : memref<!tpu.dma_semaphore, #tpu.memory_space<semaphore_mem>>)
      tpu.wait_dma2 semaphore(%run_scoped3A : memref<!tpu.dma_semaphore, #tpu.memory_space<semaphore_mem>>) src(%arg5 : memref<128x128xf32, #tpu.memory_space<hbm>>) dst(%arg13 : memref<128x128xf32, #tpu.memory_space<vmem>>)
      tpu.yield
    }) : () -> ()
    %scan3A = arith.constant 0 : i32
    %scan3A_3 = arith.constant 0 : i32
    %scan3A_4 = arith.constant 5 : i32
    %scan3A_5 = arith.addi %scan3A_3, %scan3A_4 : i32
    %scan3A_6 = arith.constant 1 : i32
    scf.for %scan3A_120 = %scan3A_3 to %scan3A_5 step %scan3A_6  : i32 {
      %mul3A_121 = arith.constant 128 : i32
      %mul3A_122 = arith.muli %scan3A_120, %mul3A_121 : i32
      %add3A_123 = arith.addi %mul3A_2, %mul3A_122 : i32
      "tpu.region"() ({
        %run_scoped3A = tpu.sem_alloc : memref<!tpu.dma_semaphore, #tpu.memory_space<semaphore_mem>>
        %dma_start3A_124 = tpu.memref_slice %arg7[%add3A_123] : memref<10240xi32, #tpu.memory_space<hbm>> -> memref<128xi32, #tpu.memory_space<hbm>>
        %dma_start3A_125 = tpu.memref_slice %arg7[%add3A_123] : memref<10240xi32, #tpu.memory_space<hbm>> -> memref<128xi32, #tpu.memory_space<hbm>>
        tpu.enqueue_dma source(%dma_start3A_125 : memref<128xi32, #tpu.memory_space<hbm>>) target(%arg12 : memref<128xi32, #tpu.memory_space<vmem>>) target_semaphore(%run_scoped3A : memref<!tpu.dma_semaphore, #tpu.memory_space<semaphore_mem>>)
        %dma_wait3A_126 = tpu.memref_slice %arg7[%add3A_123] : memref<10240xi32, #tpu.memory_space<hbm>> -> memref<128xi32, #tpu.memory_space<hbm>>
        %dma_wait3A_127 = tpu.memref_slice %arg7[%add3A_123] : memref<10240xi32, #tpu.memory_space<hbm>> -> memref<128xi32, #tpu.memory_space<hbm>>
        tpu.wait_dma2 semaphore(%run_scoped3A : memref<!tpu.dma_semaphore, #tpu.memory_space<semaphore_mem>>) src(%dma_wait3A_127 : memref<128xi32, #tpu.memory_space<hbm>>) dst(%arg12 : memref<128xi32, #tpu.memory_space<vmem>>)
        tpu.yield
      }) : () -> ()
      "tpu.region"() ({
        %run_scoped3A = tpu.sem_alloc : memref<!tpu.dma_semaphore, #tpu.memory_space<semaphore_mem>>
        %dma_start3A_124 = arith.constant 0 : i32
        %dma_start3A_125 = arith.constant 0 : i32
        %dma_start3A_126 = tpu.memref_slice %arg15[%dma_start3A_124, %dma_start3A_125] : memref<10240x128xf32, #tpu.memory_space<vmem_shared>> -> memref<10240x128xf32, #tpu.memory_space<vmem_shared>>
        tpu.enqueue_indirect_dma source(%arg13 : memref<128x128xf32, #tpu.memory_space<vmem>>) target(%dma_start3A_126 : memref<10240x128xf32, #tpu.memory_space<vmem_shared>>) offsets(%arg12 : memref<128xi32, #tpu.memory_space<vmem>>) semaphore(%run_scoped3A : memref<!tpu.dma_semaphore, #tpu.memory_space<semaphore_mem>>)
        %dma_wait3A_127 = arith.constant 0 : i32
        %dma_wait3A_128 = arith.constant 0 : i32
        %dma_wait3A_129 = tpu.memref_slice %arg15[%dma_wait3A_127, %dma_wait3A_128] : memref<10240x128xf32, #tpu.memory_space<vmem_shared>> -> memref<10240x128xf32, #tpu.memory_space<vmem_shared>>
        tpu.wait_indirect_dma semaphore(%run_scoped3A : memref<!tpu.dma_semaphore, #tpu.memory_space<semaphore_mem>>) src(%arg13 : memref<128x128xf32, #tpu.memory_space<vmem>>) dst(%dma_wait3A_129 : memref<10240x128xf32, #tpu.memory_space<vmem_shared>>)
        tpu.yield
      }) : () -> ()
    }
    %scan3A_7 = arith.constant 5 : i32
    %barrier3A = arith.constant 0 : index
    tpu.barrier barrier_id(%barrier3A)
    "tpu.region"() ({
      %run_scoped3A = tpu.sem_alloc : memref<!tpu.dma_semaphore, #tpu.memory_space<semaphore_mem>>
      %dma_start3A_120 = arith.constant 0 : i32
      %dma_start3A_121 = arith.constant 0 : i32
      %dma_start3A_122 = tpu.memref_slice %arg3[%add3A, %dma_start3A_120, %dma_start3A_121] : memref<32x80x128xi32, #tpu.memory_space<hbm>> -> memref<1x40x128xi32, #tpu.memory_space<hbm>>
      %dma_start3A_123 = tpu.memref_squeeze %dma_start3A_122 : memref<1x40x128xi32, #tpu.memory_space<hbm>> -> memref<40x128xi32, #tpu.memory_space<hbm>>
      %dma_start3A_124 = arith.constant 0 : i32
      %dma_start3A_125 = arith.constant 0 : i32
      %dma_start3A_126 = tpu.memref_slice %arg3[%add3A, %dma_start3A_124, %dma_start3A_125] : memref<32x80x128xi32, #tpu.memory_space<hbm>> -> memref<1x40x128xi32, #tpu.memory_space<hbm>>
      %dma_start3A_127 = tpu.memref_squeeze %dma_start3A_126 : memref<1x40x128xi32, #tpu.memory_space<hbm>> -> memref<40x128xi32, #tpu.memory_space<hbm>>
      tpu.enqueue_dma source(%dma_start3A_127 : memref<40x128xi32, #tpu.memory_space<hbm>>) target(%arg10 : memref<40x128xi32, #tpu.memory_space<vmem>>) target_semaphore(%run_scoped3A : memref<!tpu.dma_semaphore, #tpu.memory_space<semaphore_mem>>)
      %dma_wait3A_128 = arith.constant 0 : i32
      %dma_wait3A_129 = arith.constant 0 : i32
      %dma_wait3A_130 = tpu.memref_slice %arg3[%add3A, %dma_wait3A_128, %dma_wait3A_129] : memref<32x80x128xi32, #tpu.memory_space<hbm>> -> memref<1x40x128xi32, #tpu.memory_space<hbm>>
      %dma_wait3A_131 = tpu.memref_squeeze %dma_wait3A_130 : memref<1x40x128xi32, #tpu.memory_space<hbm>> -> memref<40x128xi32, #tpu.memory_space<hbm>>
      %dma_wait3A_132 = arith.constant 0 : i32
      %dma_wait3A_133 = arith.constant 0 : i32
      %dma_wait3A_134 = tpu.memref_slice %arg3[%add3A, %dma_wait3A_132, %dma_wait3A_133] : memref<32x80x128xi32, #tpu.memory_space<hbm>> -> memref<1x40x128xi32, #tpu.memory_space<hbm>>
      %dma_wait3A_135 = tpu.memref_squeeze %dma_wait3A_134 : memref<1x40x128xi32, #tpu.memory_space<hbm>> -> memref<40x128xi32, #tpu.memory_space<hbm>>
      tpu.wait_dma2 semaphore(%run_scoped3A : memref<!tpu.dma_semaphore, #tpu.memory_space<semaphore_mem>>) src(%dma_wait3A_135 : memref<40x128xi32, #tpu.memory_space<hbm>>) dst(%arg10 : memref<40x128xi32, #tpu.memory_space<vmem>>)
      tpu.yield
    }) : () -> ()
    "tpu.region"() ({
      %run_scoped3A = tpu.sem_alloc : memref<!tpu.dma_semaphore, #tpu.memory_space<semaphore_mem>>
      %dma_start3A_120 = arith.constant 0 : i32
      %dma_start3A_121 = arith.constant 0 : i32
      %dma_start3A_122 = tpu.memref_slice %arg4[%add3A, %dma_start3A_120, %dma_start3A_121] : memref<32x80x128xi32, #tpu.memory_space<hbm>> -> memref<1x40x128xi32, #tpu.memory_space<hbm>>
      %dma_start3A_123 = tpu.memref_squeeze %dma_start3A_122 : memref<1x40x128xi32, #tpu.memory_space<hbm>> -> memref<40x128xi32, #tpu.memory_space<hbm>>
      %dma_start3A_124 = arith.constant 0 : i32
      %dma_start3A_125 = arith.constant 0 : i32
      %dma_start3A_126 = tpu.memref_slice %arg4[%add3A, %dma_start3A_124, %dma_start3A_125] : memref<32x80x128xi32, #tpu.memory_space<hbm>> -> memref<1x40x128xi32, #tpu.memory_space<hbm>>
      %dma_start3A_127 = tpu.memref_squeeze %dma_start3A_126 : memref<1x40x128xi32, #tpu.memory_space<hbm>> -> memref<40x128xi32, #tpu.memory_space<hbm>>
      tpu.enqueue_dma source(%dma_start3A_127 : memref<40x128xi32, #tpu.memory_space<hbm>>) target(%arg11 : memref<40x128xi32, #tpu.memory_space<vmem>>) target_semaphore(%run_scoped3A : memref<!tpu.dma_semaphore, #tpu.memory_space<semaphore_mem>>)
      %dma_wait3A_128 = arith.constant 0 : i32
      %dma_wait3A_129 = arith.constant 0 : i32
      %dma_wait3A_130 = tpu.memref_slice %arg4[%add3A, %dma_wait3A_128, %dma_wait3A_129] : memref<32x80x128xi32, #tpu.memory_space<hbm>> -> memref<1x40x128xi32, #tpu.memory_space<hbm>>
      %dma_wait3A_131 = tpu.memref_squeeze %dma_wait3A_130 : memref<1x40x128xi32, #tpu.memory_space<hbm>> -> memref<40x128xi32, #tpu.memory_space<hbm>>
      %dma_wait3A_132 = arith.constant 0 : i32
      %dma_wait3A_133 = arith.constant 0 : i32
      %dma_wait3A_134 = tpu.memref_slice %arg4[%add3A, %dma_wait3A_132, %dma_wait3A_133] : memref<32x80x128xi32, #tpu.memory_space<hbm>> -> memref<1x40x128xi32, #tpu.memory_space<hbm>>
      %dma_wait3A_135 = tpu.memref_squeeze %dma_wait3A_134 : memref<1x40x128xi32, #tpu.memory_space<hbm>> -> memref<40x128xi32, #tpu.memory_space<hbm>>
      tpu.wait_dma2 semaphore(%run_scoped3A : memref<!tpu.dma_semaphore, #tpu.memory_space<semaphore_mem>>) src(%dma_wait3A_135 : memref<40x128xi32, #tpu.memory_space<hbm>>) dst(%arg11 : memref<40x128xi32, #tpu.memory_space<vmem>>)
      tpu.yield
    }) : () -> ()
    %dma_start3A = arith.constant 0 : i32
    %dma_start3A_8 = arith.constant 0 : i32
    %dma_start3A_9 = tpu.memref_slice %arg10[%dma_start3A, %dma_start3A_8] : memref<40x128xi32, #tpu.memory_space<vmem>> -> memref<1x128xi32, #tpu.memory_space<vmem>>
    %dma_start3A_10 = tpu.memref_squeeze %dma_start3A_9 : memref<1x128xi32, #tpu.memory_space<vmem>> -> memref<128xi32, #tpu.memory_space<vmem>>
    %dma_start3A_11 = arith.constant 0 : i32
    %dma_start3A_12 = arith.constant 0 : i32
    %dma_start3A_13 = tpu.memref_slice %arg2[%dma_start3A_11, %dma_start3A_12] : memref<10000x128xf32, #tpu.memory_space<hbm>> -> memref<10000x128xf32, #tpu.memory_space<hbm>>
    tpu.enqueue_indirect_dma source(%dma_start3A_13 : memref<10000x128xf32, #tpu.memory_space<hbm>>) target(%arg13 : memref<128x128xf32, #tpu.memory_space<vmem>>) offsets(%dma_start3A_10 : memref<128xi32, #tpu.memory_space<vmem>>) semaphore(%arg16 : memref<!tpu.dma_semaphore, #tpu.memory_space<semaphore_mem>>)
    %dma_start3A_14 = arith.constant 1 : i32
    %dma_start3A_15 = arith.constant 0 : i32
    %dma_start3A_16 = tpu.memref_slice %arg10[%dma_start3A_14, %dma_start3A_15] : memref<40x128xi32, #tpu.memory_space<vmem>> -> memref<1x128xi32, #tpu.memory_space<vmem>>
    %dma_start3A_17 = tpu.memref_squeeze %dma_start3A_16 : memref<1x128xi32, #tpu.memory_space<vmem>> -> memref<128xi32, #tpu.memory_space<vmem>>
    %dma_start3A_18 = arith.constant 0 : i32
    %dma_start3A_19 = arith.constant 0 : i32
    %dma_start3A_20 = tpu.memref_slice %arg2[%dma_start3A_18, %dma_start3A_19] : memref<10000x128xf32, #tpu.memory_space<hbm>> -> memref<10000x128xf32, #tpu.memory_space<hbm>>
    tpu.enqueue_indirect_dma source(%dma_start3A_20 : memref<10000x128xf32, #tpu.memory_space<hbm>>) target(%arg14 : memref<128x128xf32, #tpu.memory_space<vmem>>) offsets(%dma_start3A_17 : memref<128xi32, #tpu.memory_space<vmem>>) semaphore(%arg17 : memref<!tpu.dma_semaphore, #tpu.memory_space<semaphore_mem>>)
    %scan3A_21 = arith.constant 0 : i32
    %scan3A_22 = arith.constant 0 : i32
    %scan3A_23 = arith.constant 20 : i32
    %scan3A_24 = arith.addi %scan3A_22, %scan3A_23 : i32
    %scan3A_25 = arith.constant 1 : i32
    scf.for %scan3A_120 = %scan3A_22 to %scan3A_24 step %scan3A_25  : i32 {
      %mul3A_121 = arith.constant 2 : i32
      %mul3A_122 = arith.muli %mul3A_121, %scan3A_120 : i32
      %add3A_123 = arith.constant 2 : i32
      %add3A_124 = arith.addi %mul3A_122, %add3A_123 : i32
      %min3A = arith.constant 39 : i32
      %min3A_125 = arith.minsi %add3A_124, %min3A : i32
      %add3A_126 = arith.constant 3 : i32
      %add3A_127 = arith.addi %mul3A_122, %add3A_126 : i32
      %min3A_128 = arith.constant 39 : i32
      %min3A_129 = arith.minsi %add3A_127, %min3A_128 : i32
      %dma_wait3A_130 = arith.constant 0 : i32
      %dma_wait3A_131 = tpu.memref_slice %arg10[%mul3A_122, %dma_wait3A_130] : memref<40x128xi32, #tpu.memory_space<vmem>> -> memref<1x128xi32, #tpu.memory_space<vmem>>
      %dma_wait3A_132 = tpu.memref_squeeze %dma_wait3A_131 : memref<1x128xi32, #tpu.memory_space<vmem>> -> memref<128xi32, #tpu.memory_space<vmem>>
      %dma_wait3A_133 = arith.constant 0 : i32
      %dma_wait3A_134 = arith.constant 0 : i32
      %dma_wait3A_135 = tpu.memref_slice %arg2[%dma_wait3A_133, %dma_wait3A_134] : memref<10000x128xf32, #tpu.memory_space<hbm>> -> memref<10000x128xf32, #tpu.memory_space<hbm>>
      tpu.wait_indirect_dma semaphore(%arg16 : memref<!tpu.dma_semaphore, #tpu.memory_space<semaphore_mem>>) src(%dma_wait3A_135 : memref<10000x128xf32, #tpu.memory_space<hbm>>) dst(%arg13 : memref<128x128xf32, #tpu.memory_space<vmem>>)
      %dma_start3A_136 = arith.constant 0 : i32
      %dma_start3A_137 = tpu.memref_slice %arg11[%mul3A_122, %dma_start3A_136] : memref<40x128xi32, #tpu.memory_space<vmem>> -> memref<1x128xi32, #tpu.memory_space<vmem>>
      %dma_start3A_138 = tpu.memref_squeeze %dma_start3A_137 : memref<1x128xi32, #tpu.memory_space<vmem>> -> memref<128xi32, #tpu.memory_space<vmem>>
      %dma_start3A_139 = arith.constant 0 : i32
      %dma_start3A_140 = arith.constant 0 : i32
      %dma_start3A_141 = tpu.memref_slice %arg15[%dma_start3A_139, %dma_start3A_140] : memref<10240x128xf32, #tpu.memory_space<vmem_shared>> -> memref<10240x128xf32, #tpu.memory_space<vmem_shared>>
      tpu.enqueue_indirect_dma source(%arg13 : memref<128x128xf32, #tpu.memory_space<vmem>>) target(%dma_start3A_141 : memref<10240x128xf32, #tpu.memory_space<vmem_shared>>) offsets(%dma_start3A_138 : memref<128xi32, #tpu.memory_space<vmem>>) semaphore(%arg18 : memref<!tpu.dma_semaphore, #tpu.memory_space<semaphore_mem>>) {add = true}
      %add3A_142 = arith.constant 1 : i32
      %add3A_143 = arith.addi %mul3A_122, %add3A_142 : i32
      %dma_wait3A_144 = arith.constant 0 : i32
      %dma_wait3A_145 = tpu.memref_slice %arg10[%add3A_143, %dma_wait3A_144] : memref<40x128xi32, #tpu.memory_space<vmem>> -> memref<1x128xi32, #tpu.memory_space<vmem>>
      %dma_wait3A_146 = tpu.memref_squeeze %dma_wait3A_145 : memref<1x128xi32, #tpu.memory_space<vmem>> -> memref<128xi32, #tpu.memory_space<vmem>>
      %dma_wait3A_147 = arith.constant 0 : i32
      %dma_wait3A_148 = arith.constant 0 : i32
      %dma_wait3A_149 = tpu.memref_slice %arg2[%dma_wait3A_147, %dma_wait3A_148] : memref<10000x128xf32, #tpu.memory_space<hbm>> -> memref<10000x128xf32, #tpu.memory_space<hbm>>
      tpu.wait_indirect_dma semaphore(%arg17 : memref<!tpu.dma_semaphore, #tpu.memory_space<semaphore_mem>>) src(%dma_wait3A_149 : memref<10000x128xf32, #tpu.memory_space<hbm>>) dst(%arg14 : memref<128x128xf32, #tpu.memory_space<vmem>>)
      %add3A_150 = arith.constant 1 : i32
      %add3A_151 = arith.addi %mul3A_122, %add3A_150 : i32
      %dma_start3A_152 = arith.constant 0 : i32
      %dma_start3A_153 = tpu.memref_slice %arg11[%add3A_151, %dma_start3A_152] : memref<40x128xi32, #tpu.memory_space<vmem>> -> memref<1x128xi32, #tpu.memory_space<vmem>>
      %dma_start3A_154 = tpu.memref_squeeze %dma_start3A_153 : memref<1x128xi32, #tpu.memory_space<vmem>> -> memref<128xi32, #tpu.memory_space<vmem>>
      %dma_start3A_155 = arith.constant 0 : i32
      %dma_start3A_156 = arith.constant 0 : i32
      %dma_start3A_157 = tpu.memref_slice %arg15[%dma_start3A_155, %dma_start3A_156] : memref<10240x128xf32, #tpu.memory_space<vmem_shared>> -> memref<10240x128xf32, #tpu.memory_space<vmem_shared>>
      tpu.enqueue_indirect_dma source(%arg14 : memref<128x128xf32, #tpu.memory_space<vmem>>) target(%dma_start3A_157 : memref<10240x128xf32, #tpu.memory_space<vmem_shared>>) offsets(%dma_start3A_154 : memref<128xi32, #tpu.memory_space<vmem>>) semaphore(%arg19 : memref<!tpu.dma_semaphore, #tpu.memory_space<semaphore_mem>>) {add = true}
      %dma_wait3A_158 = arith.constant 0 : i32
      %dma_wait3A_159 = tpu.memref_slice %arg11[%mul3A_122, %dma_wait3A_158] : memref<40x128xi32, #tpu.memory_space<vmem>> -> memref<1x128xi32, #tpu.memory_space<vmem>>
      %dma_wait3A_160 = tpu.memref_squeeze %dma_wait3A_159 : memref<1x128xi32, #tpu.memory_space<vmem>> -> memref<128xi32, #tpu.memory_space<vmem>>
      %dma_wait3A_161 = arith.constant 0 : i32
      %dma_wait3A_162 = arith.constant 0 : i32
      %dma_wait3A_163 = tpu.memref_slice %arg15[%dma_wait3A_161, %dma_wait3A_162] : memref<10240x128xf32, #tpu.memory_space<vmem_shared>> -> memref<10240x128xf32, #tpu.memory_space<vmem_shared>>
      tpu.wait_indirect_dma semaphore(%arg18 : memref<!tpu.dma_semaphore, #tpu.memory_space<semaphore_mem>>) src(%arg13 : memref<128x128xf32, #tpu.memory_space<vmem>>) dst(%dma_wait3A_163 : memref<10240x128xf32, #tpu.memory_space<vmem_shared>>)
      %dma_start3A_164 = arith.constant 0 : i32
      %dma_start3A_165 = tpu.memref_slice %arg10[%min3A_125, %dma_start3A_164] : memref<40x128xi32, #tpu.memory_space<vmem>> -> memref<1x128xi32, #tpu.memory_space<vmem>>
      %dma_start3A_166 = tpu.memref_squeeze %dma_start3A_165 : memref<1x128xi32, #tpu.memory_space<vmem>> -> memref<128xi32, #tpu.memory_space<vmem>>
      %dma_start3A_167 = arith.constant 0 : i32
      %dma_start3A_168 = arith.constant 0 : i32
      %dma_start3A_169 = tpu.memref_slice %arg2[%dma_start3A_167, %dma_start3A_168] : memref<10000x128xf32, #tpu.memory_space<hbm>> -> memref<10000x128xf32, #tpu.memory_space<hbm>>
      tpu.enqueue_indirect_dma source(%dma_start3A_169 : memref<10000x128xf32, #tpu.memory_space<hbm>>) target(%arg13 : memref<128x128xf32, #tpu.memory_space<vmem>>) offsets(%dma_start3A_166 : memref<128xi32, #tpu.memory_space<vmem>>) semaphore(%arg16 : memref<!tpu.dma_semaphore, #tpu.memory_space<semaphore_mem>>)
      %add3A_170 = arith.constant 1 : i32
      %add3A_171 = arith.addi %mul3A_122, %add3A_170 : i32
      %dma_wait3A_172 = arith.constant 0 : i32
      %dma_wait3A_173 = tpu.memref_slice %arg11[%add3A_171, %dma_wait3A_172] : memref<40x128xi32, #tpu.memory_space<vmem>> -> memref<1x128xi32, #tpu.memory_space<vmem>>
      %dma_wait3A_174 = tpu.memref_squeeze %dma_wait3A_173 : memref<1x128xi32, #tpu.memory_space<vmem>> -> memref<128xi32, #tpu.memory_space<vmem>>
      %dma_wait3A_175 = arith.constant 0 : i32
      %dma_wait3A_176 = arith.constant 0 : i32
      %dma_wait3A_177 = tpu.memref_slice %arg15[%dma_wait3A_175, %dma_wait3A_176] : memref<10240x128xf32, #tpu.memory_space<vmem_shared>> -> memref<10240x128xf32, #tpu.memory_space<vmem_shared>>
      tpu.wait_indirect_dma semaphore(%arg19 : memref<!tpu.dma_semaphore, #tpu.memory_space<semaphore_mem>>) src(%arg14 : memref<128x128xf32, #tpu.memory_space<vmem>>) dst(%dma_wait3A_177 : memref<10240x128xf32, #tpu.memory_space<vmem_shared>>)
      %dma_start3A_178 = arith.constant 0 : i32
      %dma_start3A_179 = tpu.memref_slice %arg10[%min3A_129, %dma_start3A_178] : memref<40x128xi32, #tpu.memory_space<vmem>> -> memref<1x128xi32, #tpu.memory_space<vmem>>
      %dma_start3A_180 = tpu.memref_squeeze %dma_start3A_179 : memref<1x128xi32, #tpu.memory_space<vmem>> -> memref<128xi32, #tpu.memory_space<vmem>>
      %dma_start3A_181 = arith.constant 0 : i32
      %dma_start3A_182 = arith.constant 0 : i32
      %dma_start3A_183 = tpu.memref_slice %arg2[%dma_start3A_181, %dma_start3A_182] : memref<10000x128xf32, #tpu.memory_space<hbm>> -> memref<10000x128xf32, #tpu.memory_space<hbm>>
      tpu.enqueue_indirect_dma source(%dma_start3A_183 : memref<10000x128xf32, #tpu.memory_space<hbm>>) target(%arg14 : memref<128x128xf32, #tpu.memory_space<vmem>>) offsets(%dma_start3A_180 : memref<128xi32, #tpu.memory_space<vmem>>) semaphore(%arg17 : memref<!tpu.dma_semaphore, #tpu.memory_space<semaphore_mem>>)
    }
    %scan3A_26 = arith.constant 20 : i32
    %dma_wait3A = arith.constant 0 : i32
    %dma_wait3A_27 = arith.constant 0 : i32
    %dma_wait3A_28 = tpu.memref_slice %arg10[%dma_wait3A, %dma_wait3A_27] : memref<40x128xi32, #tpu.memory_space<vmem>> -> memref<1x128xi32, #tpu.memory_space<vmem>>
    %dma_wait3A_29 = tpu.memref_squeeze %dma_wait3A_28 : memref<1x128xi32, #tpu.memory_space<vmem>> -> memref<128xi32, #tpu.memory_space<vmem>>
    %dma_wait3A_30 = arith.constant 0 : i32
    %dma_wait3A_31 = arith.constant 0 : i32
    %dma_wait3A_32 = tpu.memref_slice %arg2[%dma_wait3A_30, %dma_wait3A_31] : memref<10000x128xf32, #tpu.memory_space<hbm>> -> memref<10000x128xf32, #tpu.memory_space<hbm>>
    tpu.wait_indirect_dma semaphore(%arg16 : memref<!tpu.dma_semaphore, #tpu.memory_space<semaphore_mem>>) src(%dma_wait3A_32 : memref<10000x128xf32, #tpu.memory_space<hbm>>) dst(%arg13 : memref<128x128xf32, #tpu.memory_space<vmem>>)
    %dma_wait3A_33 = arith.constant 0 : i32
    %dma_wait3A_34 = arith.constant 0 : i32
    %dma_wait3A_35 = tpu.memref_slice %arg10[%dma_wait3A_33, %dma_wait3A_34] : memref<40x128xi32, #tpu.memory_space<vmem>> -> memref<1x128xi32, #tpu.memory_space<vmem>>
    %dma_wait3A_36 = tpu.memref_squeeze %dma_wait3A_35 : memref<1x128xi32, #tpu.memory_space<vmem>> -> memref<128xi32, #tpu.memory_space<vmem>>
    %dma_wait3A_37 = arith.constant 0 : i32
    %dma_wait3A_38 = arith.constant 0 : i32
    %dma_wait3A_39 = tpu.memref_slice %arg2[%dma_wait3A_37, %dma_wait3A_38] : memref<10000x128xf32, #tpu.memory_space<hbm>> -> memref<10000x128xf32, #tpu.memory_space<hbm>>
    tpu.wait_indirect_dma semaphore(%arg17 : memref<!tpu.dma_semaphore, #tpu.memory_space<semaphore_mem>>) src(%dma_wait3A_39 : memref<10000x128xf32, #tpu.memory_space<hbm>>) dst(%arg14 : memref<128x128xf32, #tpu.memory_space<vmem>>)
    "tpu.region"() ({
      %run_scoped3A = tpu.sem_alloc : memref<!tpu.dma_semaphore, #tpu.memory_space<semaphore_mem>>
      %dma_start3A_120 = arith.constant 40 : i32
      %dma_start3A_121 = arith.constant 0 : i32
      %dma_start3A_122 = tpu.memref_slice %arg3[%add3A, %dma_start3A_120, %dma_start3A_121] : memref<32x80x128xi32, #tpu.memory_space<hbm>> -> memref<1x40x128xi32, #tpu.memory_space<hbm>>
      %dma_start3A_123 = tpu.memref_squeeze %dma_start3A_122 : memref<1x40x128xi32, #tpu.memory_space<hbm>> -> memref<40x128xi32, #tpu.memory_space<hbm>>
      %dma_start3A_124 = arith.constant 40 : i32
      %dma_start3A_125 = arith.constant 0 : i32
      %dma_start3A_126 = tpu.memref_slice %arg3[%add3A, %dma_start3A_124, %dma_start3A_125] : memref<32x80x128xi32, #tpu.memory_space<hbm>> -> memref<1x40x128xi32, #tpu.memory_space<hbm>>
      %dma_start3A_127 = tpu.memref_squeeze %dma_start3A_126 : memref<1x40x128xi32, #tpu.memory_space<hbm>> -> memref<40x128xi32, #tpu.memory_space<hbm>>
      tpu.enqueue_dma source(%dma_start3A_127 : memref<40x128xi32, #tpu.memory_space<hbm>>) target(%arg10 : memref<40x128xi32, #tpu.memory_space<vmem>>) target_semaphore(%run_scoped3A : memref<!tpu.dma_semaphore, #tpu.memory_space<semaphore_mem>>)
      %dma_wait3A_128 = arith.constant 40 : i32
      %dma_wait3A_129 = arith.constant 0 : i32
      %dma_wait3A_130 = tpu.memref_slice %arg3[%add3A, %dma_wait3A_128, %dma_wait3A_129] : memref<32x80x128xi32, #tpu.memory_space<hbm>> -> memref<1x40x128xi32, #tpu.memory_space<hbm>>
      %dma_wait3A_131 = tpu.memref_squeeze %dma_wait3A_130 : memref<1x40x128xi32, #tpu.memory_space<hbm>> -> memref<40x128xi32, #tpu.memory_space<hbm>>
      %dma_wait3A_132 = arith.constant 40 : i32
      %dma_wait3A_133 = arith.constant 0 : i32
      %dma_wait3A_134 = tpu.memref_slice %arg3[%add3A, %dma_wait3A_132, %dma_wait3A_133] : memref<32x80x128xi32, #tpu.memory_space<hbm>> -> memref<1x40x128xi32, #tpu.memory_space<hbm>>
      %dma_wait3A_135 = tpu.memref_squeeze %dma_wait3A_134 : memref<1x40x128xi32, #tpu.memory_space<hbm>> -> memref<40x128xi32, #tpu.memory_space<hbm>>
      tpu.wait_dma2 semaphore(%run_scoped3A : memref<!tpu.dma_semaphore, #tpu.memory_space<semaphore_mem>>) src(%dma_wait3A_135 : memref<40x128xi32, #tpu.memory_space<hbm>>) dst(%arg10 : memref<40x128xi32, #tpu.memory_space<vmem>>)
      tpu.yield
    }) : () -> ()
    "tpu.region"() ({
      %run_scoped3A = tpu.sem_alloc : memref<!tpu.dma_semaphore, #tpu.memory_space<semaphore_mem>>
      %dma_start3A_120 = arith.constant 40 : i32
      %dma_start3A_121 = arith.constant 0 : i32
      %dma_start3A_122 = tpu.memref_slice %arg4[%add3A, %dma_start3A_120, %dma_start3A_121] : memref<32x80x128xi32, #tpu.memory_space<hbm>> -> memref<1x40x128xi32, #tpu.memory_space<hbm>>
      %dma_start3A_123 = tpu.memref_squeeze %dma_start3A_122 : memref<1x40x128xi32, #tpu.memory_space<hbm>> -> memref<40x128xi32, #tpu.memory_space<hbm>>
      %dma_start3A_124 = arith.constant 40 : i32
      %dma_start3A_125 = arith.constant 0 : i32
      %dma_start3A_126 = tpu.memref_slice %arg4[%add3A, %dma_start3A_124, %dma_start3A_125] : memref<32x80x128xi32, #tpu.memory_space<hbm>> -> memref<1x40x128xi32, #tpu.memory_space<hbm>>
      %dma_start3A_127 = tpu.memref_squeeze %dma_start3A_126 : memref<1x40x128xi32, #tpu.memory_space<hbm>> -> memref<40x128xi32, #tpu.memory_space<hbm>>
      tpu.enqueue_dma source(%dma_start3A_127 : memref<40x128xi32, #tpu.memory_space<hbm>>) target(%arg11 : memref<40x128xi32, #tpu.memory_space<vmem>>) target_semaphore(%run_scoped3A : memref<!tpu.dma_semaphore, #tpu.memory_space<semaphore_mem>>)
      %dma_wait3A_128 = arith.constant 40 : i32
      %dma_wait3A_129 = arith.constant 0 : i32
      %dma_wait3A_130 = tpu.memref_slice %arg4[%add3A, %dma_wait3A_128, %dma_wait3A_129] : memref<32x80x128xi32, #tpu.memory_space<hbm>> -> memref<1x40x128xi32, #tpu.memory_space<hbm>>
      %dma_wait3A_131 = tpu.memref_squeeze %dma_wait3A_130 : memref<1x40x128xi32, #tpu.memory_space<hbm>> -> memref<40x128xi32, #tpu.memory_space<hbm>>
      %dma_wait3A_132 = arith.constant 40 : i32
      %dma_wait3A_133 = arith.constant 0 : i32
      %dma_wait3A_134 = tpu.memref_slice %arg4[%add3A, %dma_wait3A_132, %dma_wait3A_133] : memref<32x80x128xi32, #tpu.memory_space<hbm>> -> memref<1x40x128xi32, #tpu.memory_space<hbm>>
      %dma_wait3A_135 = tpu.memref_squeeze %dma_wait3A_134 : memref<1x40x128xi32, #tpu.memory_space<hbm>> -> memref<40x128xi32, #tpu.memory_space<hbm>>
      tpu.wait_dma2 semaphore(%run_scoped3A : memref<!tpu.dma_semaphore, #tpu.memory_space<semaphore_mem>>) src(%dma_wait3A_135 : memref<40x128xi32, #tpu.memory_space<hbm>>) dst(%arg11 : memref<40x128xi32, #tpu.memory_space<vmem>>)
      tpu.yield
    }) : () -> ()
    %dma_start3A_40 = arith.constant 0 : i32
    %dma_start3A_41 = arith.constant 0 : i32
    %dma_start3A_42 = tpu.memref_slice %arg10[%dma_start3A_40, %dma_start3A_41] : memref<40x128xi32, #tpu.memory_space<vmem>> -> memref<1x128xi32, #tpu.memory_space<vmem>>
    %dma_start3A_43 = tpu.memref_squeeze %dma_start3A_42 : memref<1x128xi32, #tpu.memory_space<vmem>> -> memref<128xi32, #tpu.memory_space<vmem>>
    %dma_start3A_44 = arith.constant 0 : i32
    %dma_start3A_45 = arith.constant 0 : i32
    %dma_start3A_46 = tpu.memref_slice %arg2[%dma_start3A_44, %dma_start3A_45] : memref<10000x128xf32, #tpu.memory_space<hbm>> -> memref<10000x128xf32, #tpu.memory_space<hbm>>
    tpu.enqueue_indirect_dma source(%dma_start3A_46 : memref<10000x128xf32, #tpu.memory_space<hbm>>) target(%arg13 : memref<128x128xf32, #tpu.memory_space<vmem>>) offsets(%dma_start3A_43 : memref<128xi32, #tpu.memory_space<vmem>>) semaphore(%arg16 : memref<!tpu.dma_semaphore, #tpu.memory_space<semaphore_mem>>)
    %dma_start3A_47 = arith.constant 1 : i32
    %dma_start3A_48 = arith.constant 0 : i32
    %dma_start3A_49 = tpu.memref_slice %arg10[%dma_start3A_47, %dma_start3A_48] : memref<40x128xi32, #tpu.memory_space<vmem>> -> memref<1x128xi32, #tpu.memory_space<vmem>>
    %dma_start3A_50 = tpu.memref_squeeze %dma_start3A_49 : memref<1x128xi32, #tpu.memory_space<vmem>> -> memref<128xi32, #tpu.memory_space<vmem>>
    %dma_start3A_51 = arith.constant 0 : i32
    %dma_start3A_52 = arith.constant 0 : i32
    %dma_start3A_53 = tpu.memref_slice %arg2[%dma_start3A_51, %dma_start3A_52] : memref<10000x128xf32, #tpu.memory_space<hbm>> -> memref<10000x128xf32, #tpu.memory_space<hbm>>
    tpu.enqueue_indirect_dma source(%dma_start3A_53 : memref<10000x128xf32, #tpu.memory_space<hbm>>) target(%arg14 : memref<128x128xf32, #tpu.memory_space<vmem>>) offsets(%dma_start3A_50 : memref<128xi32, #tpu.memory_space<vmem>>) semaphore(%arg17 : memref<!tpu.dma_semaphore, #tpu.memory_space<semaphore_mem>>)
    %scan3A_54 = arith.constant 0 : i32
    %scan3A_55 = arith.constant 0 : i32
    %scan3A_56 = arith.constant 20 : i32
    %scan3A_57 = arith.addi %scan3A_55, %scan3A_56 : i32
    %scan3A_58 = arith.constant 1 : i32
    scf.for %scan3A_120 = %scan3A_55 to %scan3A_57 step %scan3A_58  : i32 {
      %mul3A_121 = arith.constant 2 : i32
      %mul3A_122 = arith.muli %mul3A_121, %scan3A_120 : i32
      %add3A_123 = arith.constant 2 : i32
      %add3A_124 = arith.addi %mul3A_122, %add3A_123 : i32
      %min3A = arith.constant 39 : i32
      %min3A_125 = arith.minsi %add3A_124, %min3A : i32
      %add3A_126 = arith.constant 3 : i32
      %add3A_127 = arith.addi %mul3A_122, %add3A_126 : i32
      %min3A_128 = arith.constant 39 : i32
      %min3A_129 = arith.minsi %add3A_127, %min3A_128 : i32
      %dma_wait3A_130 = arith.constant 0 : i32
      %dma_wait3A_131 = tpu.memref_slice %arg10[%mul3A_122, %dma_wait3A_130] : memref<40x128xi32, #tpu.memory_space<vmem>> -> memref<1x128xi32, #tpu.memory_space<vmem>>
      %dma_wait3A_132 = tpu.memref_squeeze %dma_wait3A_131 : memref<1x128xi32, #tpu.memory_space<vmem>> -> memref<128xi32, #tpu.memory_space<vmem>>
      %dma_wait3A_133 = arith.constant 0 : i32
      %dma_wait3A_134 = arith.constant 0 : i32
      %dma_wait3A_135 = tpu.memref_slice %arg2[%dma_wait3A_133, %dma_wait3A_134] : memref<10000x128xf32, #tpu.memory_space<hbm>> -> memref<10000x128xf32, #tpu.memory_space<hbm>>
      tpu.wait_indirect_dma semaphore(%arg16 : memref<!tpu.dma_semaphore, #tpu.memory_space<semaphore_mem>>) src(%dma_wait3A_135 : memref<10000x128xf32, #tpu.memory_space<hbm>>) dst(%arg13 : memref<128x128xf32, #tpu.memory_space<vmem>>)
      %dma_start3A_136 = arith.constant 0 : i32
      %dma_start3A_137 = tpu.memref_slice %arg11[%mul3A_122, %dma_start3A_136] : memref<40x128xi32, #tpu.memory_space<vmem>> -> memref<1x128xi32, #tpu.memory_space<vmem>>
      %dma_start3A_138 = tpu.memref_squeeze %dma_start3A_137 : memref<1x128xi32, #tpu.memory_space<vmem>> -> memref<128xi32, #tpu.memory_space<vmem>>
      %dma_start3A_139 = arith.constant 0 : i32
      %dma_start3A_140 = arith.constant 0 : i32
      %dma_start3A_141 = tpu.memref_slice %arg15[%dma_start3A_139, %dma_start3A_140] : memref<10240x128xf32, #tpu.memory_space<vmem_shared>> -> memref<10240x128xf32, #tpu.memory_space<vmem_shared>>
      tpu.enqueue_indirect_dma source(%arg13 : memref<128x128xf32, #tpu.memory_space<vmem>>) target(%dma_start3A_141 : memref<10240x128xf32, #tpu.memory_space<vmem_shared>>) offsets(%dma_start3A_138 : memref<128xi32, #tpu.memory_space<vmem>>) semaphore(%arg18 : memref<!tpu.dma_semaphore, #tpu.memory_space<semaphore_mem>>) {add = true}
      %add3A_142 = arith.constant 1 : i32
      %add3A_143 = arith.addi %mul3A_122, %add3A_142 : i32
      %dma_wait3A_144 = arith.constant 0 : i32
      %dma_wait3A_145 = tpu.memref_slice %arg10[%add3A_143, %dma_wait3A_144] : memref<40x128xi32, #tpu.memory_space<vmem>> -> memref<1x128xi32, #tpu.memory_space<vmem>>
      %dma_wait3A_146 = tpu.memref_squeeze %dma_wait3A_145 : memref<1x128xi32, #tpu.memory_space<vmem>> -> memref<128xi32, #tpu.memory_space<vmem>>
      %dma_wait3A_147 = arith.constant 0 : i32
      %dma_wait3A_148 = arith.constant 0 : i32
      %dma_wait3A_149 = tpu.memref_slice %arg2[%dma_wait3A_147, %dma_wait3A_148] : memref<10000x128xf32, #tpu.memory_space<hbm>> -> memref<10000x128xf32, #tpu.memory_space<hbm>>
      tpu.wait_indirect_dma semaphore(%arg17 : memref<!tpu.dma_semaphore, #tpu.memory_space<semaphore_mem>>) src(%dma_wait3A_149 : memref<10000x128xf32, #tpu.memory_space<hbm>>) dst(%arg14 : memref<128x128xf32, #tpu.memory_space<vmem>>)
      %add3A_150 = arith.constant 1 : i32
      %add3A_151 = arith.addi %mul3A_122, %add3A_150 : i32
      %dma_start3A_152 = arith.constant 0 : i32
      %dma_start3A_153 = tpu.memref_slice %arg11[%add3A_151, %dma_start3A_152] : memref<40x128xi32, #tpu.memory_space<vmem>> -> memref<1x128xi32, #tpu.memory_space<vmem>>
      %dma_start3A_154 = tpu.memref_squeeze %dma_start3A_153 : memref<1x128xi32, #tpu.memory_space<vmem>> -> memref<128xi32, #tpu.memory_space<vmem>>
      %dma_start3A_155 = arith.constant 0 : i32
      %dma_start3A_156 = arith.constant 0 : i32
      %dma_start3A_157 = tpu.memref_slice %arg15[%dma_start3A_155, %dma_start3A_156] : memref<10240x128xf32, #tpu.memory_space<vmem_shared>> -> memref<10240x128xf32, #tpu.memory_space<vmem_shared>>
      tpu.enqueue_indirect_dma source(%arg14 : memref<128x128xf32, #tpu.memory_space<vmem>>) target(%dma_start3A_157 : memref<10240x128xf32, #tpu.memory_space<vmem_shared>>) offsets(%dma_start3A_154 : memref<128xi32, #tpu.memory_space<vmem>>) semaphore(%arg19 : memref<!tpu.dma_semaphore, #tpu.memory_space<semaphore_mem>>) {add = true}
      %dma_wait3A_158 = arith.constant 0 : i32
      %dma_wait3A_159 = tpu.memref_slice %arg11[%mul3A_122, %dma_wait3A_158] : memref<40x128xi32, #tpu.memory_space<vmem>> -> memref<1x128xi32, #tpu.memory_space<vmem>>
      %dma_wait3A_160 = tpu.memref_squeeze %dma_wait3A_159 : memref<1x128xi32, #tpu.memory_space<vmem>> -> memref<128xi32, #tpu.memory_space<vmem>>
      %dma_wait3A_161 = arith.constant 0 : i32
      %dma_wait3A_162 = arith.constant 0 : i32
      %dma_wait3A_163 = tpu.memref_slice %arg15[%dma_wait3A_161, %dma_wait3A_162] : memref<10240x128xf32, #tpu.memory_space<vmem_shared>> -> memref<10240x128xf32, #tpu.memory_space<vmem_shared>>
      tpu.wait_indirect_dma semaphore(%arg18 : memref<!tpu.dma_semaphore, #tpu.memory_space<semaphore_mem>>) src(%arg13 : memref<128x128xf32, #tpu.memory_space<vmem>>) dst(%dma_wait3A_163 : memref<10240x128xf32, #tpu.memory_space<vmem_shared>>)
      %dma_start3A_164 = arith.constant 0 : i32
      %dma_start3A_165 = tpu.memref_slice %arg10[%min3A_125, %dma_start3A_164] : memref<40x128xi32, #tpu.memory_space<vmem>> -> memref<1x128xi32, #tpu.memory_space<vmem>>
      %dma_start3A_166 = tpu.memref_squeeze %dma_start3A_165 : memref<1x128xi32, #tpu.memory_space<vmem>> -> memref<128xi32, #tpu.memory_space<vmem>>
      %dma_start3A_167 = arith.constant 0 : i32
      %dma_start3A_168 = arith.constant 0 : i32
      %dma_start3A_169 = tpu.memref_slice %arg2[%dma_start3A_167, %dma_start3A_168] : memref<10000x128xf32, #tpu.memory_space<hbm>> -> memref<10000x128xf32, #tpu.memory_space<hbm>>
      tpu.enqueue_indirect_dma source(%dma_start3A_169 : memref<10000x128xf32, #tpu.memory_space<hbm>>) target(%arg13 : memref<128x128xf32, #tpu.memory_space<vmem>>) offsets(%dma_start3A_166 : memref<128xi32, #tpu.memory_space<vmem>>) semaphore(%arg16 : memref<!tpu.dma_semaphore, #tpu.memory_space<semaphore_mem>>)
      %add3A_170 = arith.constant 1 : i32
      %add3A_171 = arith.addi %mul3A_122, %add3A_170 : i32
      %dma_wait3A_172 = arith.constant 0 : i32
      %dma_wait3A_173 = tpu.memref_slice %arg11[%add3A_171, %dma_wait3A_172] : memref<40x128xi32, #tpu.memory_space<vmem>> -> memref<1x128xi32, #tpu.memory_space<vmem>>
      %dma_wait3A_174 = tpu.memref_squeeze %dma_wait3A_173 : memref<1x128xi32, #tpu.memory_space<vmem>> -> memref<128xi32, #tpu.memory_space<vmem>>
      %dma_wait3A_175 = arith.constant 0 : i32
      %dma_wait3A_176 = arith.constant 0 : i32
      %dma_wait3A_177 = tpu.memref_slice %arg15[%dma_wait3A_175, %dma_wait3A_176] : memref<10240x128xf32, #tpu.memory_space<vmem_shared>> -> memref<10240x128xf32, #tpu.memory_space<vmem_shared>>
      tpu.wait_indirect_dma semaphore(%arg19 : memref<!tpu.dma_semaphore, #tpu.memory_space<semaphore_mem>>) src(%arg14 : memref<128x128xf32, #tpu.memory_space<vmem>>) dst(%dma_wait3A_177 : memref<10240x128xf32, #tpu.memory_space<vmem_shared>>)
      %dma_start3A_178 = arith.constant 0 : i32
      %dma_start3A_179 = tpu.memref_slice %arg10[%min3A_129, %dma_start3A_178] : memref<40x128xi32, #tpu.memory_space<vmem>> -> memref<1x128xi32, #tpu.memory_space<vmem>>
      %dma_start3A_180 = tpu.memref_squeeze %dma_start3A_179 : memref<1x128xi32, #tpu.memory_space<vmem>> -> memref<128xi32, #tpu.memory_space<vmem>>
      %dma_start3A_181 = arith.constant 0 : i32
      %dma_start3A_182 = arith.constant 0 : i32
      %dma_start3A_183 = tpu.memref_slice %arg2[%dma_start3A_181, %dma_start3A_182] : memref<10000x128xf32, #tpu.memory_space<hbm>> -> memref<10000x128xf32, #tpu.memory_space<hbm>>
      tpu.enqueue_indirect_dma source(%dma_start3A_183 : memref<10000x128xf32, #tpu.memory_space<hbm>>) target(%arg14 : memref<128x128xf32, #tpu.memory_space<vmem>>) offsets(%dma_start3A_180 : memref<128xi32, #tpu.memory_space<vmem>>) semaphore(%arg17 : memref<!tpu.dma_semaphore, #tpu.memory_space<semaphore_mem>>)
    }
    %scan3A_59 = arith.constant 20 : i32
    %dma_wait3A_60 = arith.constant 0 : i32
    %dma_wait3A_61 = arith.constant 0 : i32
    %dma_wait3A_62 = tpu.memref_slice %arg10[%dma_wait3A_60, %dma_wait3A_61] : memref<40x128xi32, #tpu.memory_space<vmem>> -> memref<1x128xi32, #tpu.memory_space<vmem>>
    %dma_wait3A_63 = tpu.memref_squeeze %dma_wait3A_62 : memref<1x128xi32, #tpu.memory_space<vmem>> -> memref<128xi32, #tpu.memory_space<vmem>>
    %dma_wait3A_64 = arith.constant 0 : i32
    %dma_wait3A_65 = arith.constant 0 : i32
    %dma_wait3A_66 = tpu.memref_slice %arg2[%dma_wait3A_64, %dma_wait3A_65] : memref<10000x128xf32, #tpu.memory_space<hbm>> -> memref<10000x128xf32, #tpu.memory_space<hbm>>
    tpu.wait_indirect_dma semaphore(%arg16 : memref<!tpu.dma_semaphore, #tpu.memory_space<semaphore_mem>>) src(%dma_wait3A_66 : memref<10000x128xf32, #tpu.memory_space<hbm>>) dst(%arg13 : memref<128x128xf32, #tpu.memory_space<vmem>>)
    %dma_wait3A_67 = arith.constant 0 : i32
    %dma_wait3A_68 = arith.constant 0 : i32
    %dma_wait3A_69 = tpu.memref_slice %arg10[%dma_wait3A_67, %dma_wait3A_68] : memref<40x128xi32, #tpu.memory_space<vmem>> -> memref<1x128xi32, #tpu.memory_space<vmem>>
    %dma_wait3A_70 = tpu.memref_squeeze %dma_wait3A_69 : memref<1x128xi32, #tpu.memory_space<vmem>> -> memref<128xi32, #tpu.memory_space<vmem>>
    %dma_wait3A_71 = arith.constant 0 : i32
    %dma_wait3A_72 = arith.constant 0 : i32
    %dma_wait3A_73 = tpu.memref_slice %arg2[%dma_wait3A_71, %dma_wait3A_72] : memref<10000x128xf32, #tpu.memory_space<hbm>> -> memref<10000x128xf32, #tpu.memory_space<hbm>>
    tpu.wait_indirect_dma semaphore(%arg17 : memref<!tpu.dma_semaphore, #tpu.memory_space<semaphore_mem>>) src(%dma_wait3A_73 : memref<10000x128xf32, #tpu.memory_space<hbm>>) dst(%arg14 : memref<128x128xf32, #tpu.memory_space<vmem>>)
    %barrier3A_74 = arith.constant 0 : index
    tpu.barrier barrier_id(%barrier3A_74)
    %scan3A_75 = arith.constant 0 : i32
    %scan3A_76 = arith.constant 0 : i32
    %scan3A_77 = arith.constant 5 : i32
    %scan3A_78 = arith.addi %scan3A_76, %scan3A_77 : i32
    %scan3A_79 = arith.constant 1 : i32
    scf.for %scan3A_120 = %scan3A_76 to %scan3A_78 step %scan3A_79  : i32 {
      %mul3A_121 = arith.constant 128 : i32
      %mul3A_122 = arith.muli %scan3A_120, %mul3A_121 : i32
      %add3A_123 = arith.addi %mul3A_2, %mul3A_122 : i32
      "tpu.region"() ({
        %run_scoped3A = tpu.sem_alloc : memref<!tpu.dma_semaphore, #tpu.memory_space<semaphore_mem>>
        %dma_start3A_133 = tpu.memref_slice %arg7[%add3A_123] : memref<10240xi32, #tpu.memory_space<hbm>> -> memref<128xi32, #tpu.memory_space<hbm>>
        %dma_start3A_134 = tpu.memref_slice %arg7[%add3A_123] : memref<10240xi32, #tpu.memory_space<hbm>> -> memref<128xi32, #tpu.memory_space<hbm>>
        tpu.enqueue_dma source(%dma_start3A_134 : memref<128xi32, #tpu.memory_space<hbm>>) target(%arg12 : memref<128xi32, #tpu.memory_space<vmem>>) target_semaphore(%run_scoped3A : memref<!tpu.dma_semaphore, #tpu.memory_space<semaphore_mem>>)
        %dma_wait3A_135 = tpu.memref_slice %arg7[%add3A_123] : memref<10240xi32, #tpu.memory_space<hbm>> -> memref<128xi32, #tpu.memory_space<hbm>>
        %dma_wait3A_136 = tpu.memref_slice %arg7[%add3A_123] : memref<10240xi32, #tpu.memory_space<hbm>> -> memref<128xi32, #tpu.memory_space<hbm>>
        tpu.wait_dma2 semaphore(%run_scoped3A : memref<!tpu.dma_semaphore, #tpu.memory_space<semaphore_mem>>) src(%dma_wait3A_136 : memref<128xi32, #tpu.memory_space<hbm>>) dst(%arg12 : memref<128xi32, #tpu.memory_space<vmem>>)
        tpu.yield
      }) : () -> ()
      %dma_start3A_124 = arith.constant 0 : i32
      %dma_start3A_125 = arith.constant 0 : i32
      %dma_start3A_126 = tpu.memref_slice %arg15[%dma_start3A_124, %dma_start3A_125] : memref<10240x128xf32, #tpu.memory_space<vmem_shared>> -> memref<10240x128xf32, #tpu.memory_space<vmem_shared>>
      tpu.enqueue_indirect_dma source(%dma_start3A_126 : memref<10240x128xf32, #tpu.memory_space<vmem_shared>>) target(%arg13 : memref<128x128xf32, #tpu.memory_space<vmem>>) offsets(%arg12 : memref<128xi32, #tpu.memory_space<vmem>>) semaphore(%arg16 : memref<!tpu.dma_semaphore, #tpu.memory_space<semaphore_mem>>)
      %dma_wait3A_127 = arith.constant 0 : i32
      %dma_wait3A_128 = arith.constant 0 : i32
      %dma_wait3A_129 = tpu.memref_slice %arg15[%dma_wait3A_127, %dma_wait3A_128] : memref<10240x128xf32, #tpu.memory_space<vmem_shared>> -> memref<10240x128xf32, #tpu.memory_space<vmem_shared>>
      tpu.wait_indirect_dma semaphore(%arg16 : memref<!tpu.dma_semaphore, #tpu.memory_space<semaphore_mem>>) src(%dma_wait3A_129 : memref<10240x128xf32, #tpu.memory_space<vmem_shared>>) dst(%arg13 : memref<128x128xf32, #tpu.memory_space<vmem>>)
      %mul3A_130 = arith.constant 10240 : i32
      %mul3A_131 = arith.muli %arg0, %mul3A_130 : i32
      %add3A_132 = arith.addi %mul3A_131, %add3A_123 : i32
      "tpu.region"() ({
        %run_scoped3A = tpu.sem_alloc : memref<!tpu.dma_semaphore, #tpu.memory_space<semaphore_mem>>
        %dma_start3A_133 = arith.constant 0 : i32
        %dma_start3A_134 = tpu.memref_slice %arg8[%add3A_132, %dma_start3A_133] : memref<20480x128xf32, #tpu.memory_space<hbm>> -> memref<128x128xf32, #tpu.memory_space<hbm>>
        %dma_start3A_135 = arith.constant 0 : i32
        %dma_start3A_136 = tpu.memref_slice %arg8[%add3A_132, %dma_start3A_135] : memref<20480x128xf32, #tpu.memory_space<hbm>> -> memref<128x128xf32, #tpu.memory_space<hbm>>
        tpu.enqueue_dma source(%arg13 : memref<128x128xf32, #tpu.memory_space<vmem>>) target(%dma_start3A_136 : memref<128x128xf32, #tpu.memory_space<hbm>>) target_semaphore(%run_scoped3A : memref<!tpu.dma_semaphore, #tpu.memory_space<semaphore_mem>>)
        %dma_wait3A_137 = arith.constant 0 : i32
        %dma_wait3A_138 = tpu.memref_slice %arg8[%add3A_132, %dma_wait3A_137] : memref<20480x128xf32, #tpu.memory_space<hbm>> -> memref<128x128xf32, #tpu.memory_space<hbm>>
        %dma_wait3A_139 = arith.constant 0 : i32
        %dma_wait3A_140 = tpu.memref_slice %arg8[%add3A_132, %dma_wait3A_139] : memref<20480x128xf32, #tpu.memory_space<hbm>> -> memref<128x128xf32, #tpu.memory_space<hbm>>
        tpu.wait_dma2 semaphore(%run_scoped3A : memref<!tpu.dma_semaphore, #tpu.memory_space<semaphore_mem>>) src(%arg13 : memref<128x128xf32, #tpu.memory_space<vmem>>) dst(%dma_wait3A_140 : memref<128x128xf32, #tpu.memory_space<hbm>>)
        tpu.yield
      }) : () -> ()
    }
    %scan3A_80 = arith.constant 5 : i32
    %barrier3A_81 = arith.constant 0 : index
    tpu.barrier barrier_id(%barrier3A_81)
    "tpu.region"() ({
      %run_scoped3A = tpu.sem_alloc : memref<!tpu.dma_semaphore, #tpu.memory_space<semaphore_mem>>
      tpu.enqueue_dma source(%arg5 : memref<128x128xf32, #tpu.memory_space<hbm>>) target(%arg14 : memref<128x128xf32, #tpu.memory_space<vmem>>) target_semaphore(%run_scoped3A : memref<!tpu.dma_semaphore, #tpu.memory_space<semaphore_mem>>)
      tpu.wait_dma2 semaphore(%run_scoped3A : memref<!tpu.dma_semaphore, #tpu.memory_space<semaphore_mem>>) src(%arg5 : memref<128x128xf32, #tpu.memory_space<hbm>>) dst(%arg14 : memref<128x128xf32, #tpu.memory_space<vmem>>)
      tpu.yield
    }) : () -> ()
    %scan3A_82 = arith.constant 0 : i32
    %scan3A_83 = arith.constant 0 : i32
    %scan3A_84 = arith.constant 5 : i32
    %scan3A_85 = arith.addi %scan3A_83, %scan3A_84 : i32
    %scan3A_86 = arith.constant 1 : i32
    scf.for %scan3A_120 = %scan3A_83 to %scan3A_85 step %scan3A_86  : i32 {
      %mul3A_121 = arith.constant 128 : i32
      %mul3A_122 = arith.muli %scan3A_120, %mul3A_121 : i32
      %add3A_123 = arith.addi %mul3A_2, %mul3A_122 : i32
      "tpu.region"() ({
        %run_scoped3A = tpu.sem_alloc : memref<!tpu.dma_semaphore, #tpu.memory_space<semaphore_mem>>
        %dma_start3A_124 = tpu.memref_slice %arg7[%add3A_123] : memref<10240xi32, #tpu.memory_space<hbm>> -> memref<128xi32, #tpu.memory_space<hbm>>
        %dma_start3A_125 = tpu.memref_slice %arg7[%add3A_123] : memref<10240xi32, #tpu.memory_space<hbm>> -> memref<128xi32, #tpu.memory_space<hbm>>
        tpu.enqueue_dma source(%dma_start3A_125 : memref<128xi32, #tpu.memory_space<hbm>>) target(%arg12 : memref<128xi32, #tpu.memory_space<vmem>>) target_semaphore(%run_scoped3A : memref<!tpu.dma_semaphore, #tpu.memory_space<semaphore_mem>>)
        %dma_wait3A_126 = tpu.memref_slice %arg7[%add3A_123] : memref<10240xi32, #tpu.memory_space<hbm>> -> memref<128xi32, #tpu.memory_space<hbm>>
        %dma_wait3A_127 = tpu.memref_slice %arg7[%add3A_123] : memref<10240xi32, #tpu.memory_space<hbm>> -> memref<128xi32, #tpu.memory_space<hbm>>
        tpu.wait_dma2 semaphore(%run_scoped3A : memref<!tpu.dma_semaphore, #tpu.memory_space<semaphore_mem>>) src(%dma_wait3A_127 : memref<128xi32, #tpu.memory_space<hbm>>) dst(%arg12 : memref<128xi32, #tpu.memory_space<vmem>>)
        tpu.yield
      }) : () -> ()
      "tpu.region"() ({
        %run_scoped3A = tpu.sem_alloc : memref<!tpu.dma_semaphore, #tpu.memory_space<semaphore_mem>>
        %dma_start3A_124 = arith.constant 0 : i32
        %dma_start3A_125 = arith.constant 0 : i32
        %dma_start3A_126 = tpu.memref_slice %arg15[%dma_start3A_124, %dma_start3A_125] : memref<10240x128xf32, #tpu.memory_space<vmem_shared>> -> memref<10240x128xf32, #tpu.memory_space<vmem_shared>>
        tpu.enqueue_indirect_dma source(%arg14 : memref<128x128xf32, #tpu.memory_space<vmem>>) target(%dma_start3A_126 : memref<10240x128xf32, #tpu.memory_space<vmem_shared>>) offsets(%arg12 : memref<128xi32, #tpu.memory_space<vmem>>) semaphore(%run_scoped3A : memref<!tpu.dma_semaphore, #tpu.memory_space<semaphore_mem>>)
        %dma_wait3A_127 = arith.constant 0 : i32
        %dma_wait3A_128 = arith.constant 0 : i32
        %dma_wait3A_129 = tpu.memref_slice %arg15[%dma_wait3A_127, %dma_wait3A_128] : memref<10240x128xf32, #tpu.memory_space<vmem_shared>> -> memref<10240x128xf32, #tpu.memory_space<vmem_shared>>
        tpu.wait_indirect_dma semaphore(%run_scoped3A : memref<!tpu.dma_semaphore, #tpu.memory_space<semaphore_mem>>) src(%arg14 : memref<128x128xf32, #tpu.memory_space<vmem>>) dst(%dma_wait3A_129 : memref<10240x128xf32, #tpu.memory_space<vmem_shared>>)
        tpu.yield
      }) : () -> ()
    }
    %scan3A_87 = arith.constant 5 : i32
    "tpu.region"() ({
      %run_scoped3A = tpu.sem_alloc : memref<!tpu.dma_semaphore, #tpu.memory_space<semaphore_mem>>
      tpu.enqueue_dma source(%arg6 : memref<128x128xf32, #tpu.memory_space<hbm>>) target(%arg13 : memref<128x128xf32, #tpu.memory_space<vmem>>) target_semaphore(%run_scoped3A : memref<!tpu.dma_semaphore, #tpu.memory_space<semaphore_mem>>)
      tpu.wait_dma2 semaphore(%run_scoped3A : memref<!tpu.dma_semaphore, #tpu.memory_space<semaphore_mem>>) src(%arg6 : memref<128x128xf32, #tpu.memory_space<hbm>>) dst(%arg13 : memref<128x128xf32, #tpu.memory_space<vmem>>)
      tpu.yield
    }) : () -> ()
    %barrier3A_88 = arith.constant 0 : index
    tpu.barrier barrier_id(%barrier3A_88)
    "tpu.region"() ({
      %run_scoped3A = tpu.sem_alloc : memref<!tpu.dma_semaphore, #tpu.memory_space<semaphore_mem>>
      %dma_start3A_120 = arith.constant 0 : i32
      %dma_start3A_121 = arith.constant 0 : i32
      %dma_start3A_122 = tpu.memref_slice %arg4[%add3A, %dma_start3A_120, %dma_start3A_121] : memref<32x80x128xi32, #tpu.memory_space<hbm>> -> memref<1x40x128xi32, #tpu.memory_space<hbm>>
      %dma_start3A_123 = tpu.memref_squeeze %dma_start3A_122 : memref<1x40x128xi32, #tpu.memory_space<hbm>> -> memref<40x128xi32, #tpu.memory_space<hbm>>
      %dma_start3A_124 = arith.constant 0 : i32
      %dma_start3A_125 = arith.constant 0 : i32
      %dma_start3A_126 = tpu.memref_slice %arg4[%add3A, %dma_start3A_124, %dma_start3A_125] : memref<32x80x128xi32, #tpu.memory_space<hbm>> -> memref<1x40x128xi32, #tpu.memory_space<hbm>>
      %dma_start3A_127 = tpu.memref_squeeze %dma_start3A_126 : memref<1x40x128xi32, #tpu.memory_space<hbm>> -> memref<40x128xi32, #tpu.memory_space<hbm>>
      tpu.enqueue_dma source(%dma_start3A_127 : memref<40x128xi32, #tpu.memory_space<hbm>>) target(%arg11 : memref<40x128xi32, #tpu.memory_space<vmem>>) target_semaphore(%run_scoped3A : memref<!tpu.dma_semaphore, #tpu.memory_space<semaphore_mem>>)
      %dma_wait3A_128 = arith.constant 0 : i32
      %dma_wait3A_129 = arith.constant 0 : i32
      %dma_wait3A_130 = tpu.memref_slice %arg4[%add3A, %dma_wait3A_128, %dma_wait3A_129] : memref<32x80x128xi32, #tpu.memory_space<hbm>> -> memref<1x40x128xi32, #tpu.memory_space<hbm>>
      %dma_wait3A_131 = tpu.memref_squeeze %dma_wait3A_130 : memref<1x40x128xi32, #tpu.memory_space<hbm>> -> memref<40x128xi32, #tpu.memory_space<hbm>>
      %dma_wait3A_132 = arith.constant 0 : i32
      %dma_wait3A_133 = arith.constant 0 : i32
      %dma_wait3A_134 = tpu.memref_slice %arg4[%add3A, %dma_wait3A_132, %dma_wait3A_133] : memref<32x80x128xi32, #tpu.memory_space<hbm>> -> memref<1x40x128xi32, #tpu.memory_space<hbm>>
      %dma_wait3A_135 = tpu.memref_squeeze %dma_wait3A_134 : memref<1x40x128xi32, #tpu.memory_space<hbm>> -> memref<40x128xi32, #tpu.memory_space<hbm>>
      tpu.wait_dma2 semaphore(%run_scoped3A : memref<!tpu.dma_semaphore, #tpu.memory_space<semaphore_mem>>) src(%dma_wait3A_135 : memref<40x128xi32, #tpu.memory_space<hbm>>) dst(%arg11 : memref<40x128xi32, #tpu.memory_space<vmem>>)
      tpu.yield
    }) : () -> ()
    %scan3A_89 = arith.constant 0 : i32
    %scan3A_90 = arith.constant 0 : i32
    %scan3A_91 = arith.constant 40 : i32
    %scan3A_92 = arith.addi %scan3A_90, %scan3A_91 : i32
    %scan3A_93 = arith.constant 1 : i32
    scf.for %scan3A_120 = %scan3A_90 to %scan3A_92 step %scan3A_93  : i32 {
      %dma_start3A_121 = arith.constant 0 : i32
      %dma_start3A_122 = tpu.memref_slice %arg11[%scan3A_120, %dma_start3A_121] : memref<40x128xi32, #tpu.memory_space<vmem>> -> memref<1x128xi32, #tpu.memory_space<vmem>>
      %dma_start3A_123 = tpu.memref_squeeze %dma_start3A_122 : memref<1x128xi32, #tpu.memory_space<vmem>> -> memref<128xi32, #tpu.memory_space<vmem>>
      %dma_start3A_124 = arith.constant 0 : i32
      %dma_start3A_125 = arith.constant 0 : i32
      %dma_start3A_126 = tpu.memref_slice %arg15[%dma_start3A_124, %dma_start3A_125] : memref<10240x128xf32, #tpu.memory_space<vmem_shared>> -> memref<10240x128xf32, #tpu.memory_space<vmem_shared>>
      tpu.enqueue_indirect_dma source(%arg13 : memref<128x128xf32, #tpu.memory_space<vmem>>) target(%dma_start3A_126 : memref<10240x128xf32, #tpu.memory_space<vmem_shared>>) offsets(%dma_start3A_123 : memref<128xi32, #tpu.memory_space<vmem>>) semaphore(%arg18 : memref<!tpu.dma_semaphore, #tpu.memory_space<semaphore_mem>>) {add = true}
    }
    %scan3A_94 = arith.constant 40 : i32
    %scan3A_95 = arith.constant 0 : i32
    %scan3A_96 = arith.constant 0 : i32
    %scan3A_97 = arith.constant 40 : i32
    %scan3A_98 = arith.addi %scan3A_96, %scan3A_97 : i32
    %scan3A_99 = arith.constant 1 : i32
    scf.for %scan3A_120 = %scan3A_96 to %scan3A_98 step %scan3A_99  : i32 {
      %dma_wait3A_121 = arith.constant 0 : i32
      %dma_wait3A_122 = arith.constant 0 : i32
      %dma_wait3A_123 = tpu.memref_slice %arg11[%dma_wait3A_121, %dma_wait3A_122] : memref<40x128xi32, #tpu.memory_space<vmem>> -> memref<1x128xi32, #tpu.memory_space<vmem>>
      %dma_wait3A_124 = tpu.memref_squeeze %dma_wait3A_123 : memref<1x128xi32, #tpu.memory_space<vmem>> -> memref<128xi32, #tpu.memory_space<vmem>>
      %dma_wait3A_125 = arith.constant 0 : i32
      %dma_wait3A_126 = arith.constant 0 : i32
      %dma_wait3A_127 = tpu.memref_slice %arg15[%dma_wait3A_125, %dma_wait3A_126] : memref<10240x128xf32, #tpu.memory_space<vmem_shared>> -> memref<10240x128xf32, #tpu.memory_space<vmem_shared>>
      tpu.wait_indirect_dma semaphore(%arg18 : memref<!tpu.dma_semaphore, #tpu.memory_space<semaphore_mem>>) src(%arg13 : memref<128x128xf32, #tpu.memory_space<vmem>>) dst(%dma_wait3A_127 : memref<10240x128xf32, #tpu.memory_space<vmem_shared>>)
    }
    %scan3A_100 = arith.constant 40 : i32
    "tpu.region"() ({
      %run_scoped3A = tpu.sem_alloc : memref<!tpu.dma_semaphore, #tpu.memory_space<semaphore_mem>>
      %dma_start3A_120 = arith.constant 40 : i32
      %dma_start3A_121 = arith.constant 0 : i32
      %dma_start3A_122 = tpu.memref_slice %arg4[%add3A, %dma_start3A_120, %dma_start3A_121] : memref<32x80x128xi32, #tpu.memory_space<hbm>> -> memref<1x40x128xi32, #tpu.memory_space<hbm>>
      %dma_start3A_123 = tpu.memref_squeeze %dma_start3A_122 : memref<1x40x128xi32, #tpu.memory_space<hbm>> -> memref<40x128xi32, #tpu.memory_space<hbm>>
      %dma_start3A_124 = arith.constant 40 : i32
      %dma_start3A_125 = arith.constant 0 : i32
      %dma_start3A_126 = tpu.memref_slice %arg4[%add3A, %dma_start3A_124, %dma_start3A_125] : memref<32x80x128xi32, #tpu.memory_space<hbm>> -> memref<1x40x128xi32, #tpu.memory_space<hbm>>
      %dma_start3A_127 = tpu.memref_squeeze %dma_start3A_126 : memref<1x40x128xi32, #tpu.memory_space<hbm>> -> memref<40x128xi32, #tpu.memory_space<hbm>>
      tpu.enqueue_dma source(%dma_start3A_127 : memref<40x128xi32, #tpu.memory_space<hbm>>) target(%arg11 : memref<40x128xi32, #tpu.memory_space<vmem>>) target_semaphore(%run_scoped3A : memref<!tpu.dma_semaphore, #tpu.memory_space<semaphore_mem>>)
      %dma_wait3A_128 = arith.constant 40 : i32
      %dma_wait3A_129 = arith.constant 0 : i32
      %dma_wait3A_130 = tpu.memref_slice %arg4[%add3A, %dma_wait3A_128, %dma_wait3A_129] : memref<32x80x128xi32, #tpu.memory_space<hbm>> -> memref<1x40x128xi32, #tpu.memory_space<hbm>>
      %dma_wait3A_131 = tpu.memref_squeeze %dma_wait3A_130 : memref<1x40x128xi32, #tpu.memory_space<hbm>> -> memref<40x128xi32, #tpu.memory_space<hbm>>
      %dma_wait3A_132 = arith.constant 40 : i32
      %dma_wait3A_133 = arith.constant 0 : i32
      %dma_wait3A_134 = tpu.memref_slice %arg4[%add3A, %dma_wait3A_132, %dma_wait3A_133] : memref<32x80x128xi32, #tpu.memory_space<hbm>> -> memref<1x40x128xi32, #tpu.memory_space<hbm>>
      %dma_wait3A_135 = tpu.memref_squeeze %dma_wait3A_134 : memref<1x40x128xi32, #tpu.memory_space<hbm>> -> memref<40x128xi32, #tpu.memory_space<hbm>>
      tpu.wait_dma2 semaphore(%run_scoped3A : memref<!tpu.dma_semaphore, #tpu.memory_space<semaphore_mem>>) src(%dma_wait3A_135 : memref<40x128xi32, #tpu.memory_space<hbm>>) dst(%arg11 : memref<40x128xi32, #tpu.memory_space<vmem>>)
      tpu.yield
    }) : () -> ()
    %scan3A_101 = arith.constant 0 : i32
    %scan3A_102 = arith.constant 0 : i32
    %scan3A_103 = arith.constant 40 : i32
    %scan3A_104 = arith.addi %scan3A_102, %scan3A_103 : i32
    %scan3A_105 = arith.constant 1 : i32
    scf.for %scan3A_120 = %scan3A_102 to %scan3A_104 step %scan3A_105  : i32 {
      %dma_start3A_121 = arith.constant 0 : i32
      %dma_start3A_122 = tpu.memref_slice %arg11[%scan3A_120, %dma_start3A_121] : memref<40x128xi32, #tpu.memory_space<vmem>> -> memref<1x128xi32, #tpu.memory_space<vmem>>
      %dma_start3A_123 = tpu.memref_squeeze %dma_start3A_122 : memref<1x128xi32, #tpu.memory_space<vmem>> -> memref<128xi32, #tpu.memory_space<vmem>>
      %dma_start3A_124 = arith.constant 0 : i32
      %dma_start3A_125 = arith.constant 0 : i32
      %dma_start3A_126 = tpu.memref_slice %arg15[%dma_start3A_124, %dma_start3A_125] : memref<10240x128xf32, #tpu.memory_space<vmem_shared>> -> memref<10240x128xf32, #tpu.memory_space<vmem_shared>>
      tpu.enqueue_indirect_dma source(%arg13 : memref<128x128xf32, #tpu.memory_space<vmem>>) target(%dma_start3A_126 : memref<10240x128xf32, #tpu.memory_space<vmem_shared>>) offsets(%dma_start3A_123 : memref<128xi32, #tpu.memory_space<vmem>>) semaphore(%arg18 : memref<!tpu.dma_semaphore, #tpu.memory_space<semaphore_mem>>) {add = true}
    }
    %scan3A_106 = arith.constant 40 : i32
    %scan3A_107 = arith.constant 0 : i32
    %scan3A_108 = arith.constant 0 : i32
    %scan3A_109 = arith.constant 40 : i32
    %scan3A_110 = arith.addi %scan3A_108, %scan3A_109 : i32
    %scan3A_111 = arith.constant 1 : i32
    scf.for %scan3A_120 = %scan3A_108 to %scan3A_110 step %scan3A_111  : i32 {
      %dma_wait3A_121 = arith.constant 0 : i32
      %dma_wait3A_122 = arith.constant 0 : i32
      %dma_wait3A_123 = tpu.memref_slice %arg11[%dma_wait3A_121, %dma_wait3A_122] : memref<40x128xi32, #tpu.memory_space<vmem>> -> memref<1x128xi32, #tpu.memory_space<vmem>>
      %dma_wait3A_124 = tpu.memref_squeeze %dma_wait3A_123 : memref<1x128xi32, #tpu.memory_space<vmem>> -> memref<128xi32, #tpu.memory_space<vmem>>
      %dma_wait3A_125 = arith.constant 0 : i32
      %dma_wait3A_126 = arith.constant 0 : i32
      %dma_wait3A_127 = tpu.memref_slice %arg15[%dma_wait3A_125, %dma_wait3A_126] : memref<10240x128xf32, #tpu.memory_space<vmem_shared>> -> memref<10240x128xf32, #tpu.memory_space<vmem_shared>>
      tpu.wait_indirect_dma semaphore(%arg18 : memref<!tpu.dma_semaphore, #tpu.memory_space<semaphore_mem>>) src(%arg13 : memref<128x128xf32, #tpu.memory_space<vmem>>) dst(%dma_wait3A_127 : memref<10240x128xf32, #tpu.memory_space<vmem_shared>>)
    }
    %scan3A_112 = arith.constant 40 : i32
    %barrier3A_113 = arith.constant 0 : index
    tpu.barrier barrier_id(%barrier3A_113)
    %scan3A_114 = arith.constant 0 : i32
    %scan3A_115 = arith.constant 0 : i32
    %scan3A_116 = arith.constant 5 : i32
    %scan3A_117 = arith.addi %scan3A_115, %scan3A_116 : i32
    %scan3A_118 = arith.constant 1 : i32
    scf.for %scan3A_120 = %scan3A_115 to %scan3A_117 step %scan3A_118  : i32 {
      %mul3A_121 = arith.constant 128 : i32
      %mul3A_122 = arith.muli %scan3A_120, %mul3A_121 : i32
      %add3A_123 = arith.addi %mul3A_2, %mul3A_122 : i32
      "tpu.region"() ({
        %run_scoped3A = tpu.sem_alloc : memref<!tpu.dma_semaphore, #tpu.memory_space<semaphore_mem>>
        %dma_start3A_133 = tpu.memref_slice %arg7[%add3A_123] : memref<10240xi32, #tpu.memory_space<hbm>> -> memref<128xi32, #tpu.memory_space<hbm>>
        %dma_start3A_134 = tpu.memref_slice %arg7[%add3A_123] : memref<10240xi32, #tpu.memory_space<hbm>> -> memref<128xi32, #tpu.memory_space<hbm>>
        tpu.enqueue_dma source(%dma_start3A_134 : memref<128xi32, #tpu.memory_space<hbm>>) target(%arg12 : memref<128xi32, #tpu.memory_space<vmem>>) target_semaphore(%run_scoped3A : memref<!tpu.dma_semaphore, #tpu.memory_space<semaphore_mem>>)
        %dma_wait3A_135 = tpu.memref_slice %arg7[%add3A_123] : memref<10240xi32, #tpu.memory_space<hbm>> -> memref<128xi32, #tpu.memory_space<hbm>>
        %dma_wait3A_136 = tpu.memref_slice %arg7[%add3A_123] : memref<10240xi32, #tpu.memory_space<hbm>> -> memref<128xi32, #tpu.memory_space<hbm>>
        tpu.wait_dma2 semaphore(%run_scoped3A : memref<!tpu.dma_semaphore, #tpu.memory_space<semaphore_mem>>) src(%dma_wait3A_136 : memref<128xi32, #tpu.memory_space<hbm>>) dst(%arg12 : memref<128xi32, #tpu.memory_space<vmem>>)
        tpu.yield
      }) : () -> ()
      %dma_start3A_124 = arith.constant 0 : i32
      %dma_start3A_125 = arith.constant 0 : i32
      %dma_start3A_126 = tpu.memref_slice %arg15[%dma_start3A_124, %dma_start3A_125] : memref<10240x128xf32, #tpu.memory_space<vmem_shared>> -> memref<10240x128xf32, #tpu.memory_space<vmem_shared>>
      tpu.enqueue_indirect_dma source(%dma_start3A_126 : memref<10240x128xf32, #tpu.memory_space<vmem_shared>>) target(%arg14 : memref<128x128xf32, #tpu.memory_space<vmem>>) offsets(%arg12 : memref<128xi32, #tpu.memory_space<vmem>>) semaphore(%arg16 : memref<!tpu.dma_semaphore, #tpu.memory_space<semaphore_mem>>)
      %dma_wait3A_127 = arith.constant 0 : i32
      %dma_wait3A_128 = arith.constant 0 : i32
      %dma_wait3A_129 = tpu.memref_slice %arg15[%dma_wait3A_127, %dma_wait3A_128] : memref<10240x128xf32, #tpu.memory_space<vmem_shared>> -> memref<10240x128xf32, #tpu.memory_space<vmem_shared>>
      tpu.wait_indirect_dma semaphore(%arg16 : memref<!tpu.dma_semaphore, #tpu.memory_space<semaphore_mem>>) src(%dma_wait3A_129 : memref<10240x128xf32, #tpu.memory_space<vmem_shared>>) dst(%arg14 : memref<128x128xf32, #tpu.memory_space<vmem>>)
      %mul3A_130 = arith.constant 10240 : i32
      %mul3A_131 = arith.muli %arg0, %mul3A_130 : i32
      %add3A_132 = arith.addi %mul3A_131, %add3A_123 : i32
      "tpu.region"() ({
        %run_scoped3A = tpu.sem_alloc : memref<!tpu.dma_semaphore, #tpu.memory_space<semaphore_mem>>
        %dma_start3A_133 = arith.constant 0 : i32
        %dma_start3A_134 = tpu.memref_slice %arg9[%add3A_132, %dma_start3A_133] : memref<20480x128xf32, #tpu.memory_space<hbm>> -> memref<128x128xf32, #tpu.memory_space<hbm>>
        %dma_start3A_135 = arith.constant 0 : i32
        %dma_start3A_136 = tpu.memref_slice %arg9[%add3A_132, %dma_start3A_135] : memref<20480x128xf32, #tpu.memory_space<hbm>> -> memref<128x128xf32, #tpu.memory_space<hbm>>
        tpu.enqueue_dma source(%arg14 : memref<128x128xf32, #tpu.memory_space<vmem>>) target(%dma_start3A_136 : memref<128x128xf32, #tpu.memory_space<hbm>>) target_semaphore(%run_scoped3A : memref<!tpu.dma_semaphore, #tpu.memory_space<semaphore_mem>>)
        %dma_wait3A_137 = arith.constant 0 : i32
        %dma_wait3A_138 = tpu.memref_slice %arg9[%add3A_132, %dma_wait3A_137] : memref<20480x128xf32, #tpu.memory_space<hbm>> -> memref<128x128xf32, #tpu.memory_space<hbm>>
        %dma_wait3A_139 = arith.constant 0 : i32
        %dma_wait3A_140 = tpu.memref_slice %arg9[%add3A_132, %dma_wait3A_139] : memref<20480x128xf32, #tpu.memory_space<hbm>> -> memref<128x128xf32, #tpu.memory_space<hbm>>
        tpu.wait_dma2 semaphore(%run_scoped3A : memref<!tpu.dma_semaphore, #tpu.memory_space<semaphore_mem>>) src(%arg14 : memref<128x128xf32, #tpu.memory_space<vmem>>) dst(%dma_wait3A_140 : memref<128x128xf32, #tpu.memory_space<hbm>>)
        tpu.yield
      }) : () -> ()
    }
    %scan3A_119 = arith.constant 5 : i32
    return
  }
}

module attributes {stable_mosaic.version = 14 : i64} {
  func.func @body(%arg0: memref<10000x128xf32, #tpu.memory_space<vmem>>, %arg1: memref<128x128xf32, #tpu.memory_space<vmem>>, %arg2: memref<10000x128xf32, #tpu.memory_space<vmem>>) attributes {dimension_semantics = [], scalar_prefetch = 0 : i64, scratch_operands = 0 : i64, tpu.core_type = #tpu.core_type<tc>} {
    %get3A = arith.constant 0 : index
    %get3A_0 = arith.constant 0 : index
    %get3A_1 = vector.load %arg0[%get3A, %get3A_0] : memref<10000x128xf32, #tpu.memory_space<vmem>>, vector<10000x128xf32>
    %get3A_2 = arith.constant 0 : index
    %get3A_3 = arith.constant 0 : index
    %get3A_4 = vector.load %arg1[%get3A_2, %get3A_3] : memref<128x128xf32, #tpu.memory_space<vmem>>, vector<128x128xf32>
    %dot_general3A = arith.constant dense<0.000000e+00> : vector<10000x128xf32>
    %dot_general3A_5 = tpu.matmul %get3A_1, %get3A_4, %dot_general3A {dimension_numbers = #tpu.dot_dimension_numbers<[1], [0], [0], [1], [0, 0, 1, 1], [], []>, transpose_lhs_hint = false} : vector<10000x128xf32>, vector<128x128xf32>, vector<10000x128xf32> -> vector<10000x128xf32>
    %logistic3A = arith.negf %dot_general3A_5 : vector<10000x128xf32>
    %logistic3A_6 = math.exp %logistic3A : vector<10000x128xf32>
    %logistic3A_7 = arith.constant 1.000000e+00 : f32
    %logistic3A_8 = vector.broadcast %logistic3A_7 : f32 to vector<10000x128xf32>
    %logistic3A_9 = arith.addf %logistic3A_8, %logistic3A_6 : vector<10000x128xf32>
    %logistic3A_10 = arith.divf %logistic3A_8, %logistic3A_9 : vector<10000x128xf32>
    %mul3A = arith.mulf %dot_general3A_5, %logistic3A_10 : vector<10000x128xf32>
    %swap3A = arith.constant 0 : index
    %swap3A_11 = arith.constant 0 : index
    %swap3A_12 = vector.load %arg2[%swap3A, %swap3A_11] : memref<10000x128xf32, #tpu.memory_space<vmem>>, vector<10000x128xf32>
    tpu.vector_store %arg2[%swap3A, %swap3A_11], %mul3A {strides = array<i32>} : memref<10000x128xf32, #tpu.memory_space<vmem>>, vector<10000x128xf32>,
    return
  }
}

module attributes {stable_mosaic.version = 14 : i64} {
  func.func @body(%arg0: memref<10000x128xf32, #tpu.memory_space<vmem>>, %arg1: memref<2x10240x128xf32, #tpu.memory_space<vmem>>, %arg2: memref<2x10240x128xf32, #tpu.memory_space<vmem>>, %arg3: memref<10000x128xf32, #tpu.memory_space<vmem>>) attributes {dimension_semantics = [], scalar_prefetch = 0 : i64, scratch_operands = 0 : i64, tpu.core_type = #tpu.core_type<tc>} {
    %get3A = arith.constant 0 : index
    %get3A_0 = arith.constant 0 : index
    %get3A_1 = arith.constant 0 : index
    %get3A_2 = vector.load %arg1[%get3A, %get3A_0, %get3A_1] : memref<2x10240x128xf32, #tpu.memory_space<vmem>>, vector<1x10000x128xf32>
    %get3A_3 = vector.shape_cast %get3A_2 : vector<1x10000x128xf32> to vector<10000x128xf32>
    %get3A_4 = arith.constant 1 : index
    %get3A_5 = arith.constant 0 : index
    %get3A_6 = arith.constant 0 : index
    %get3A_7 = vector.load %arg1[%get3A_4, %get3A_5, %get3A_6] : memref<2x10240x128xf32, #tpu.memory_space<vmem>>, vector<1x10000x128xf32>
    %get3A_8 = vector.shape_cast %get3A_7 : vector<1x10000x128xf32> to vector<10000x128xf32>
    %add3A = arith.addf %get3A_3, %get3A_8 : vector<10000x128xf32>
    %get3A_9 = arith.constant 0 : index
    %get3A_10 = arith.constant 0 : index
    %get3A_11 = arith.constant 0 : index
    %get3A_12 = vector.load %arg2[%get3A_9, %get3A_10, %get3A_11] : memref<2x10240x128xf32, #tpu.memory_space<vmem>>, vector<1x10000x1xf32>
    %get3A_13 = vector.shape_cast %get3A_12 : vector<1x10000x1xf32> to vector<10000x1xf32>
    %get3A_14 = arith.constant 1 : index
    %get3A_15 = arith.constant 0 : index
    %get3A_16 = arith.constant 0 : index
    %get3A_17 = vector.load %arg2[%get3A_14, %get3A_15, %get3A_16] : memref<2x10240x128xf32, #tpu.memory_space<vmem>>, vector<1x10000x1xf32>
    %get3A_18 = vector.shape_cast %get3A_17 : vector<1x10000x1xf32> to vector<10000x1xf32>
    %add3A_19 = arith.addf %get3A_13, %get3A_18 : vector<10000x1xf32>
    %get3A_20 = arith.constant 0 : index
    %get3A_21 = arith.constant 0 : index
    %get3A_22 = vector.load %arg0[%get3A_20, %get3A_21] : memref<10000x128xf32, #tpu.memory_space<vmem>>, vector<10000x128xf32>
    %max3A = arith.constant 1.000000e+00 : f32
    %max3A_23 = vector.broadcast %max3A : f32 to vector<10000x1xf32>
    %max3A_24 = arith.maximumf %add3A_19, %max3A_23 : vector<10000x1xf32>
    %div3A = vector.broadcast %max3A_24 : vector<10000x1xf32> to vector<10000x128xf32>
    %div3A_25 = arith.divf %add3A, %div3A : vector<10000x128xf32>
    %add3A_26 = arith.addf %get3A_22, %div3A_25 : vector<10000x128xf32>
    %swap3A = arith.constant 0 : index
    %swap3A_27 = arith.constant 0 : index
    %swap3A_28 = vector.load %arg3[%swap3A, %swap3A_27] : memref<10000x128xf32, #tpu.memory_space<vmem>>, vector<10000x128xf32>
    tpu.vector_store %arg3[%swap3A, %swap3A_27], %add3A_26 {strides = array<i32>} : memref<10000x128xf32, #tpu.memory_space<vmem>>, vector<10000x128xf32>,
    return
  }
}

</mosaic_0001>

<sc_bundles>
// kernel: kernel.5.cloned.1.call-start
scs
__scs_entry_jumppad:
0x0: {  	(pc) =	sbr.rel $0x88, $3  }
0x1: {  	(tag) =	ssettag $0x0;
	lr =	simm.s32 $0x1  }
0x2: {  	[smem:$0x3F9E] =	sst lr;
	_ =	strace $0xD0000000  }
0x3: {  	_ = 	snop  }
0x4: {  	_ = 	snop  }
0x5: {  	_ = 	snop  }
0x6: {  	_ = 	snop  }
0x7: {  	_ = 	snop  }
__scs_overlays_trampoline_lowered:
0x8: {  	[smem:$0x3FAD] =	sst s0  }
0x9: {  	[smem:$0x3FAE] =	sst s1  }
0xa: {  	[smem:$0x3FAF] =	sst s2  }
0xb: {  	[smem:$0x3FB0] =	sst s3  }
0xc: {  	[smem:$0x3FB1] =	sst s4  }
0xd: {  	[smem:$0x3FB2] =	sst s5  }
0xe: {  	[smem:$0x3FB3] =	sst s6  }
0xf: {  	[smem:$0x3FB4] =	sst s7  }
0x10: {  	[smem:$0x3FB5] =	sst s8  }
0x11: {  	[smem:$0x3FB6] =	sst s9;
	s0 =	simm.s32 @!p0 $0x0  }
0x12: {  	s1 =	sld [smem:$0x3F9C];
	s0 =	simm.s32 @p0 $0x1  }
0x13: {  	[smem:$0x3FB7] =	sst s0;
	s0 =	simm.s32 @!p1 $0x0  }
0x14: {  	s2 =	sld [smem:$0x3F9B];
	s0 =	simm.s32 @p1 $0x1  }
0x15: {  	[smem:$0x3FB8] =	sst s0;
	s0 =	simm.s32 @!p2 $0x0  }
0x16: {  	s3 =	sld [smem:$0x3FDB];
	s0 =	simm.s32 @p2 $0x1  }
0x17: {  	s4 =	simm.s32 $0x1BF5;
	[smem:$0x3FBA] =	sst s0  }
0x18: {  	s0 =	sld [smem:$0x3F9D];
	_ =	swait.ge [sflag:s4], $0x0  }
0x19: {  	s7 =	sld [smem:$0x3F9E]  }
0x1a: {  	s8 =	sadd.s32 $0xFFFFE003, lr  }
0x1b: {  	s9 =	sadd.s32 $0xFFFFFEF7, lr;
	s5 =	simm.s32 $0xFFFFFFFF;
	p2 =	slt.u32 s8, $0xFFFFF086  }
0x1c: {  	p1 =	slt.u32 s9, $0xF7A;
	s5 =	simm.s32 @!p2 $0x0  }
0x1d: {  	s5 =	simm.s32 @p1 $0x1;
	p0 =	seq.s32 s7, s2  }
0x1e: {  	s7 =	smul.u32 @!p0 $0xF7A, s2;
	p2 =	seq.s32 @!p0 s5, $0x0  }
0x1f: {  	s9 =	smul.u32 $0xF7A, s1;
	s8 =	simm.s32 @!p0 $0x1BF5;
	p2 =	por !p2, p0  }
0x20: {  	[sflag:s8] =	ssyncset.s32 @!p0 $0xFFFFF086;
	s6 =	sadd.s32 @!p0 s3, s7;
	s7 =	simm.s32 @!p0 $0x108  }
0x21: {  	s3 =	sadd.s32 s3, s9;
	s6 =	sadd.s32 @!p0 $0x88, s6;
	s7 =	simm.s32 @p2 $0x1082  }
0x22: {  	[simem:s7], [sflag:s8] =	dma.local @!p0 [hbm:s6], $0xF7A  }
0x23: {  	s9 =	sor.u32 $0xD0000000, s2;
	s6 =	simm.s32 $0x108;
	_ =	swait.ge @!p0 [sflag:s8], $0x0  }
0x24: {  	s3 =	sadd.s32 $0x88, s3;
	s6 =	simm.s32 @!p1 $0x1082;
	[sflag:s4] =	ssyncset.s32 $0xFFFFF086  }
0x25: {  	[simem:s6], [sflag:s4] =	dma.local [hbm:s3], $0xF7A  }
0x26: {  	[smem:$0x3F9E] =	sst s1;
	(tag) =	ssettag s2;
	_ =	strace s9  }
0x27: {  	s1 =	sld [smem:$0x3FAE]  }
0x28: {  	s2 =	sld [smem:$0x3FAF]  }
0x29: {  	s4 =	sld [smem:$0x3FB1]  }
0x2a: {  	p0 =	seq.s32 s5, $0x0;
	s5 =	sld [smem:$0x3FB2]  }
0x2b: {  	s6 =	sld [smem:$0x3FB3]  }
0x2c: {  	s7 =	sld [smem:$0x3FB4]  }
0x2d: {  	s3 =	simm.s32 $0x108;
	s8 =	sld [smem:$0x3FB5]  }
0x2e: {  	s3 =	simm.s32 @!p0 $0x1082;
	s9 =	sld [smem:$0x3FB6]  }
0x2f: {  	lr =	sadd.s32 s0, s3;
	s0 =	sld [smem:$0x3FAD]  }
0x30: {  	s3 =	sld [smem:$0x3FB0]  }
0x31: {  	[smem:$0x3FB9] =	sst s10  }
0x32: {  	s10 =	sld [smem:$0x3FB7];
	_ =	sdelay $0x3  }
0x33: {  	p0 =	seq.s32 s10, $0x1;
	s10 =	sld [smem:$0x3FB9];
	_ =	sdelay $0x3  }
0x34: {  	[smem:$0x3FB9] =	sst s10  }
0x35: {  	s10 =	sld [smem:$0x3FB8];
	_ =	sdelay $0x3  }
0x36: {  	p1 =	seq.s32 s10, $0x1;
	s10 =	sld [smem:$0x3FB9];
	_ =	sdelay $0x3  }
0x37: {  	[smem:$0x3FB9] =	sst s10  }
0x38: {  	s10 =	sld [smem:$0x3FBA]  }
0x39: {  	_ = 	snop;
	(pc) =	sbr.ind lr, $3  }
0x3a: {  	_ = 	snop  }
0x3b: {  	_ = 	snop  }
0x3c: {  	p2 =	seq.s32 s10, $0x1;
	s10 =	sld [smem:$0x3FB9]  }
0x3d: {  	_ =	shalt  }
0x3e: {  	_ =	shalt  }
0x3f: {  	_ =	shalt  }
0x40: {  	_ =	shalt  }
0x41: {  	_ =	shalt  }
0x42: {  	_ =	shalt  }
0x43: {  	_ =	shalt  }
0x44: {  	_ =	shalt  }
0x45: {  	_ =	shalt  }
0x46: {  	_ =	shalt  }
0x47: {  	_ =	shalt  }
0x48: {  	_ =	shalt  }
0x49: {  	_ =	shalt  }
0x4a: {  	_ =	shalt  }
0x4b: {  	_ =	shalt  }
0x4c: {  	_ =	shalt  }
0x4d: {  	_ =	shalt  }
0x4e: {  	_ =	shalt  }
0x4f: {  	_ =	shalt  }
0x50: {  	_ =	shalt  }
0x51: {  	_ =	shalt  }
0x52: {  	_ =	shalt  }
0x53: {  	_ =	shalt  }
0x54: {  	_ =	shalt  }
0x55: {  	_ =	shalt  }
0x56: {  	_ =	shalt  }
0x57: {  	_ =	shalt  }
0x58: {  	_ =	shalt  }
0x59: {  	_ =	shalt  }
0x5a: {  	_ =	shalt  }
0x5b: {  	_ =	shalt  }
0x5c: {  	_ =	shalt  }
0x5d: {  	_ =	shalt  }
0x5e: {  	_ =	shalt  }
0x5f: {  	_ =	shalt  }
0x60: {  	_ =	shalt  }
0x61: {  	_ =	shalt  }
0x62: {  	_ =	shalt  }
0x63: {  	_ =	shalt  }
0x64: {  	_ =	shalt  }
0x65: {  	_ =	shalt  }
0x66: {  	_ =	shalt  }
0x67: {  	_ =	shalt  }
0x68: {  	_ =	shalt  }
0x69: {  	_ =	shalt  }
0x6a: {  	_ =	shalt  }
0x6b: {  	_ =	shalt  }
0x6c: {  	_ =	shalt  }
0x6d: {  	_ =	shalt  }
0x6e: {  	_ =	shalt  }
0x6f: {  	_ =	shalt  }
0x70: {  	_ =	shalt  }
0x71: {  	_ =	shalt  }
0x72: {  	_ =	shalt  }
0x73: {  	_ =	shalt  }
0x74: {  	_ =	shalt  }
0x75: {  	_ =	shalt  }
0x76: {  	_ =	shalt  }
0x77: {  	_ =	shalt  }
0x78: {  	_ =	shalt  }
0x79: {  	_ =	shalt  }
0x7a: {  	_ =	shalt  }
0x7b: {  	_ =	shalt  }
0x7c: {  	_ =	shalt  }
0x7d: {  	_ =	shalt  }
0x7e: {  	_ =	shalt  }
0x7f: {  	_ =	shalt  }
0x80: {  	_ =	shalt  }
0x81: {  	_ =	shalt  }
0x82: {  	_ =	shalt  }
0x83: {  	_ =	shalt  }
0x84: {  	_ =	shalt  }
0x85: {  	_ =	shalt  }
0x86: {  	_ =	shalt  }
0x87: {  	_ =	shalt  }
.Lfunc_end0:
.L_simem_size_0:
called_computation_lowered:
.L_overlay_start_0:
0x88: {  	s2 =	sld [smem:$0x3FD9]  }
0x89: {  	s3 =	sld [smem:$0x3FFE];
	_ =	sdelay $0x1  }
0x8a: {  	s1 =	srdreg.scid  }
0x8b: {  	s0 =	sand.u32 $0x1, s1  }
0x8c: {  	s17 =	sshll.u32 s0, $0xA;
	s2 =	sadd.s32 s3, s2  }
0x8d: {  	s2 =	sadd.s32 s2, s17  }
0x8e: {  	[smem:$0x3FC5] =	sst s2  }
0x8f: {  	_ = 	snop  }
0x90: {  	s2 =	sld [smem:$0x3FD0];
	(tm) =	ssettm $0x1  }
0x91: {  	s18 =	sld [smem:$0x3FFB];
	_ =	sdelay $0x3  }
0x92: {  	_ =	strace s18  }
0x93: {  	s3 =	sld [smem:$0x3FFC];
	_ =	sdelay $0x3  }
0x94: {  	_ =	strace s3  }
0x95: {  	s3 =	sld [smem:$0x3FFD];
	_ =	sdelay $0x3  }
0x96: {  	_ =	strace s3  }
0x97: {  	_ =	strace $0x8FFFFFFF  }
0x98: {  	s19 =	sld [smem:$0x3FDB];
	_ =	sdelay $0x1  }
0x99: {  	s4 =	simm.s32 $_scs_section_size  }
0x9a: {  	s5 =	simm.s32 $_size__tile_overlayer_lowered;
	s6 =	simm.s32 $_tile_overlayer_lowered  }
0x9b: {  	s22 =	simm.s32 $0x1BFF;
	s21 =	sshll.u32 s6, $0x1;
	s3 =	sadd.s32 s4, s19  }
0x9c: {  	s7 =	simm.s32 $0x0;
	s20 =	sshll.u32 s5, $0x1;
	s5 =	sadd.s32 s21, s3  }
0x9d: {  	[timem:s7], [sflag:s22] =	dma.local [hbm:s5], s20  }
0x9e: {  	_ =	swait.ge [sflag:s22], s20  }
0x9f: {  	s4 =	ssub.s32 $0x0, s20;
	[sflag:s22] =	ssyncset.done $0x0  }
0xa0: {  	[sflag:s22] =	ssyncadd.s32 s4;
	_ =	sdelay $0x1  }
0xa1: {  	s23 =	simm.s32 $0x1B8B  }
0xa2: {  	_ =	swait.ge [sflag:s23], $0x1  }
0xa3: {  	[sflag:s23] =	ssyncset.done $0x0  }
0xa4: {  	s25 =	simm.s32 $0x1B8E;
	s24 =	sld [smem:$0x3FFE];
	[sflag:s23] =	ssyncadd.s32 $0xFFFFFFFF  }
0xa5: {  	s26 =	simm.s32 $execute0_lowered;
	[smem:$0x3FD2] =	sst s25  }
0xa6: {  	s5 =	sshll.u32 s26, $0x1;
	_ =	strace $0x80000046;
	[dreg:$0x1] =	wrdreg $0xFFFFFFFF  }
0xa7: {  	s28 =	simm.s32 $_size_execute0_lowered;
	s3 =	sadd.s32 s3, s5;
	[dreg:$0x0] =	wrdreg $0x0  }
0xa8: {  	s5 =	sshll.u32 s28, $0x1;
	[dreg:$0x2] =	wrdreg s3  }
0xa9: {  	[dreg:$0x3] =	wrdreg s5  }
0xaa: {  	[dreg:$0x4] =	wrdreg $0xC0  }
0xab: {  	_ =	task [dreg:s7], $0x5FFFF  }
0xac: {  	[dreg:$0x1] =	wrdreg $0xFFFFFFFF  }
0xad: {  	[dreg:$0x0] =	wrdreg $0x60  }
0xae: {  	[dreg:$0x2] =	wrdreg s2  }
0xaf: {  	[dreg:$0x3] =	wrdreg s24  }
0xb0: {  	[dreg:$0x4] =	wrdreg $0xA8800  }
0xb1: {  	[dreg:$0x5] =	wrdreg $0x9  }
0xb2: {  	_ =	task.clear_ibuf [dreg:s7], $0x6FFFF;
	_ =	strace $0x90000046  }
0xb3: {  	s29 =	simm.s32 $0x9;
	_ =	strace $0x80000048  }
0xb4: {  	_ =	swait.ge [sflag:s29], $0x1  }
0xb5: {  	[sflag:s29] =	ssyncadd.s32 $0xFFFFFFFF  }
0xb6: {  	_ =	strace $0x90000048  }
0xb7: {  	_ =	sfence  }
0xb8: {  	s30 =	sld [smem:$0x0];
	_ =	sdelay $0x2  }
0xb9: {  	s31 =	sshll.u32 s1, $0xD;
	s1 =	sshrl.u32 s1, $0x2  }
0xba: {  	s3 =	sand.u32 $0x4000, s31;
	s1 =	sadd.s32 s1, s30  }
0xbb: {  	s0 =	sor.u32 s3, s0;
	s1 =	sshll.u32 s1, $0x11  }
0xbc: {  	s0 =	sor.u32 s1, s0  }
0xbd: {  	s0 =	sadd.s32 $0x8F2B, s0  }
0xbe: {  	[sflag:s0] =	ssyncadd.remote.s32 $0x1  }
0xbf: {  	_ =	sfence.sel $0xFFFF  }
0xc0: {  	[dreg:$0x0] =	wrdreg $0xFFFFFFFF;
	(pc) =	sbr.abs _section_cstart, $3  }
0xc1: {  	[dreg:$0x1] =	wrdreg $0xFFFFFFFF  }
0xc2: {  	_ =	task.clear_ibuf [dreg:s7], $0x2FFFF;
	_ =	strace $0x9FFFFFFF  }
0xc3: {  	(tm) =	ssettm $0x7FFFFFFF  }
tec
execute0_lowered:
.L_overlay_start_1:
0x0: {  	(tag) =	ssettag $0x1  }
0x1: {  	s1 =	rddreg [dreg:$0x0]  }
0x2: {  	s0 =	rddreg [dreg:$0x1]  }
0x3: {  	s2 =	rddreg [dreg:$0x2]  }
0x4: {  	s4 =	srdreg.scid;
	s10 =	stileid.u32;
	s3 =	simm.s32 $0x0  }
0x5: {  	s28 =	simm.s32 $0x2880;
	s29 =	simm.s32 $0x5;
	s30 =	simm.s32 $0x2800  }
0x6: {  	s31 =	simm.s32 $0x80;
	s4 =	sand.u32 $0x1, s4;
	s5 =	sshll.u32 s10, $0x1  }
0x7: {  	[smem:$0x7FF] =	sst s3;
	s6 =	sadd.s32 $0xA800, s0;
	s7 =	sadd.s32 $0x800, s0  }
0x8: {  	s12 =	sadd.s32 $0x14800, s0;
	s13 =	sadd.s32 $0x15E00, s0;
	s16 =	smul.u32 $0x280, s10  }
0x9: {  	s5 =	sor.u32 s4, s5;
	s8 =	ssub.s32 $0x2, s4;
	s4 =	smul.u32 $0x2800, s4  }
0xa: {  	s14 =	sadd.s32 $0x65E00, s0;
	s5 =	smul.u32 $0x2800, s5;
	s9 =	sshrl.u32 s8, $0x1  }
0xb: {  	s21 =	sshrl.u32 s16, $0x3;
	s22 =	sadd.s32 $0x80, s16;
	s17 =	sadd.s32 $0x100, s16  }
0xc: {  	s18 =	sadd.s32 $0x180, s16;
	s15 =	ssub.s32 s8, s9;
	s8 =	sadd.s32 s12, s21  }
0xd: {  	s23 =	sshrl.u32 s22, $0x3;
	s24 =	sshrl.u32 s17, $0x3;
	s11 =	sshrl.u32 s18, $0x3  }
0xe: {  	s17 =	sadd.s32 s4, s17;
	s18 =	sadd.s32 s4, s18;
	s5 =	sshrl.u32 s5, $0x3  }
0xf: {  	s9 =	sadd.s32 s12, s23;
	s10 =	sadd.s32 s12, s24;
	s11 =	sadd.s32 s12, s11  }
0x10: {  	s17 =	sshll.u32 s17, $0x4;
	s18 =	sshll.u32 s18, $0x4;
	s19 =	sadd.s32 $0x280, s5  }
0x11: {  	s20 =	sadd.s32 s6, s5;
	s5 =	sadd.s32 s7, s5;
	s21 =	sadd.s32 s13, s17  }
0x12: {  	s24 =	sadd.s32 s14, s17;
	s17 =	simm.s32 $0x1400;
	[dreg:$0x4] =	wrdreg s20  }
0x13: {  	s6 =	sadd.s32 s6, s19;
	s7 =	sadd.s32 s7, s19;
	[dreg:$0x8] =	wrdreg s21  }
0x14: {  	s19 =	sadd.s32 $0x200, s16;
	s16 =	sadd.s32 s4, s16;
	[dreg:$0xd] =	wrdreg s24  }
0x15: {  	s24 =	sadd.s32 $0x15600, s0;
	s0 =	sadd.s32 $0x14E00, s0;
	s21 =	simm.s32 $0x2780  }
0x16: {  	[dreg:$0x5] =	wrdreg s6;
	s20 =	sshrl.u32 s19, $0x3;
	s16 =	sshll.u32 s16, $0x4  }
0x17: {  	s6 =	sadd.s32 s4, s22;
	s4 =	sadd.s32 s4, s19;
	s22 =	sadd.s32 s13, s18  }
0x18: {  	s19 =	simm.s32 $0x1380;
	s25 =	sadd.s32 s13, s16;
	[dreg:$0x9] =	wrdreg s22  }
0x19: {  	s6 =	sshll.u32 s6, $0x4;
	s23 =	sadd.s32 s14, s16;
	[dreg:$0x6] =	wrdreg s25  }
0x1a: {  	s4 =	sshll.u32 s4, $0x4;
	s26 =	sadd.s32 s13, s6;
	[dreg:$0xb] =	wrdreg s23  }
0x1b: {  	s12 =	sadd.s32 s12, s20;
	s13 =	sadd.s32 s13, s4;
	[dreg:$0x7] =	wrdreg s26  }
0x1c: {  	s16 =	simm.s32 $0x2680;
	s6 =	sadd.s32 s14, s6;
	[dreg:$0xa] =	wrdreg s13  }
0x1d: {  	s20 =	simm.s32 $0x2700;
	s25 =	sadd.s32 s14, s18;
	[dreg:$0xc] =	wrdreg s6  }
0x1e: {  	s22 =	simm.s32 $0x0;
	s4 =	sadd.s32 s14, s4;
	[dreg:$0xe] =	wrdreg s25  }
0x1f: {  	s14 =	simm.s32 $0x4;
	s18 =	simm.s32 $0x2580;
	[dreg:$0xf] =	wrdreg s4  }
0x20: {  	s26 =	smax.u32 s15, $0x1;
	s4 =	simm.s32 $0x1;
	s6 =	simm.s32 $0x2  }
0x21: {  	s13 =	simm.s32 $0x3;
	_ =	strace $0x80000047;
	[dreg:$0x10] =	wrdreg s0  }
0x22: {  	s15 =	simm.s32 $0x2600;
	[dreg:$0x11] =	wrdreg s26;
	s0 =	simm.s32 $0x6880  }
.LBB2_1:
0x23: {  	[tilespmem:s28], [sflag:$0x5] =	stream.linear.gather [hbm4b:s24+s3], $0x4000, $0x38;
	[tilespmem:$0x1E880] =	vst v63  }
0x24: {  	_ =	swait.ge [sflag:s29], $0x4000  }
0x25: {  	[sflag:s29] =	ssyncset.done $0x0  }
0x26: {  	[sflag:s29] =	ssyncadd.s32 $0xFFFFC000  }
0x27: {  	[tilespmem:s30], [sflag:$0x5] =	stream.linear.gather [hbm4b:s8+s3], $0x80, $0x38;
	[tilespmem:$0x1E880] =	vst v63  }
0x28: {  	_ =	swait.ge [sflag:s29], $0x80  }
0x29: {  	[sflag:s29] =	ssyncset.done $0x0  }
0x2a: {  	[sflag:s29] =	ssyncadd.s32 $0xFFFFFF80  }
0x2b: {  	[spmem:s2] =	stream.indirect.scatter [tilespmem:s28], [sflag:$0x5], $0x80, s30, s31, $0xb8;
	[tilespmem:$0x1E880] =	vst v63  }
0x2c: {  	_ =	swait.ge [sflag:s29], $0x4000  }
0x2d: {  	[sflag:s29] =	ssyncset.done $0x0  }
0x2e: {  	[sflag:s29] =	ssyncadd.s32 $0xFFFFC000  }
0x2f: {  	[tilespmem:s30], [sflag:$0x5] =	stream.linear.gather [hbm4b:s9+s3], $0x80, $0x38;
	[tilespmem:$0x1E880] =	vst v63  }
0x30: {  	_ =	swait.ge [sflag:s29], $0x80  }
0x31: {  	[sflag:s29] =	ssyncset.done $0x0  }
0x32: {  	[sflag:s29] =	ssyncadd.s32 $0xFFFFFF80  }
0x33: {  	[spmem:s2] =	stream.indirect.scatter [tilespmem:s28], [sflag:$0x5], $0x80, s30, s31, $0xb8;
	[tilespmem:$0x1E880] =	vst v63  }
0x34: {  	_ =	swait.ge [sflag:s29], $0x4000  }
0x35: {  	[sflag:s29] =	ssyncset.done $0x0  }
0x36: {  	[sflag:s29] =	ssyncadd.s32 $0xFFFFC000  }
0x37: {  	[tilespmem:s30], [sflag:$0x5] =	stream.linear.gather [hbm4b:s10+s3], $0x80, $0x38;
	[tilespmem:$0x1E880] =	vst v63  }
0x38: {  	_ =	swait.ge [sflag:s29], $0x80  }
0x39: {  	[sflag:s29] =	ssyncset.done $0x0  }
0x3a: {  	[sflag:s29] =	ssyncadd.s32 $0xFFFFFF80  }
0x3b: {  	[spmem:s2] =	stream.indirect.scatter [tilespmem:s28], [sflag:$0x5], $0x80, s30, s31, $0xb8;
	[tilespmem:$0x1E880] =	vst v63  }
0x3c: {  	_ =	swait.ge [sflag:s29], $0x4000  }
0x3d: {  	[sflag:s29] =	ssyncset.done $0x0  }
0x3e: {  	[sflag:s29] =	ssyncadd.s32 $0xFFFFC000  }
0x3f: {  	[tilespmem:s30], [sflag:$0x5] =	stream.linear.gather [hbm4b:s11+s3], $0x80, $0x38;
	[tilespmem:$0x1E880] =	vst v63  }
0x40: {  	_ =	swait.ge [sflag:s29], $0x80  }
0x41: {  	[sflag:s29] =	ssyncset.done $0x0  }
0x42: {  	[sflag:s29] =	ssyncadd.s32 $0xFFFFFF80  }
0x43: {  	[spmem:s2] =	stream.indirect.scatter [tilespmem:s28], [sflag:$0x5], $0x80, s30, s31, $0xb8;
	[tilespmem:$0x1E880] =	vst v63  }
0x44: {  	_ =	swait.ge [sflag:s29], $0x4000  }
0x45: {  	[sflag:s29] =	ssyncset.done $0x0  }
0x46: {  	[sflag:s29] =	ssyncadd.s32 $0xFFFFC000  }
0x47: {  	[tilespmem:s30], [sflag:$0x5] =	stream.linear.gather [hbm4b:s12+s3], $0x80, $0x38;
	[tilespmem:$0x1E880] =	vst v63  }
0x48: {  	_ =	swait.ge [sflag:s29], $0x80  }
0x49: {  	[sflag:s29] =	ssyncset.done $0x0  }
0x4a: {  	[sflag:s29] =	ssyncadd.s32 $0xFFFFFF80  }
0x4b: {  	[spmem:s2] =	stream.indirect.scatter [tilespmem:s28], [sflag:$0x5], $0x80, s30, s31, $0xb8;
	[tilespmem:$0x1E880] =	vst v63  }
0x4c: {  	_ =	swait.ge [sflag:s29], $0x4000  }
0x4d: {  	[sflag:s29] =	ssyncset.done $0x0  }
0x4e: {  	[sflag:s29] =	ssyncadd.s32 $0xFFFFC000  }
0x4f: {  	[bflag:$0x0] =	sbarrier.arrive $0xFFFF  }
0x50: {  	s23 =	rddreg [dreg:$0x4]  }
0x51: {  	[tilespmem:s3], [sflag:$0x5] =	stream.linear.gather [hbm4b:s23+s3], $0x1400, $0x38;
	[tilespmem:$0x1E880] =	vst v63  }
0x52: {  	_ =	swait.ge [sflag:s29], $0x1400  }
0x53: {  	[sflag:s29] =	ssyncset.done $0x0  }
0x54: {  	[sflag:s29] =	ssyncadd.s32 $0xFFFFEC00  }
0x55: {  	[tilespmem:s17], [sflag:$0x5] =	stream.linear.gather [hbm4b:s5+s3], $0x1400, $0x38;
	[tilespmem:$0x1E880] =	vst v63  }
0x56: {  	_ =	swait.ge [sflag:s29], $0x1400  }
0x57: {  	[sflag:s29] =	ssyncset.done $0x0  }
0x58: {  	[sflag:s29] =	ssyncadd.s32 $0xFFFFEC00  }
0x59: {  	[tilespmem:s28], [sflag:$0x1] =	stream.indirect.gather [hbm4b:s1+s31], $0x80, s3, s31, $0xb8;
	[tilespmem:$0x1E880] =	vst v63  }
0x5a: {  	_ = 	snop  }
0x5b: {  	[tilespmem:s0], [sflag:$0x2] =	stream.indirect.gather [hbm4b:s1+s31], $0x80, s31, s31, $0xb8;
	[tilespmem:$0x1E880] =	vst v63  }
0x5c: {  	_ =	swait.ge [sflag:s4], $0x4000  }
0x5d: {  	[sflag:s4] =	ssyncset.done $0x0  }
0x5e: {  	s26 =	simm.s32 $0x1400;
	[sflag:s4] =	ssyncadd.s32 $0xFFFFC000  }
0x5f: {  	[spmem:s2] =	stream.indirect.scatter.add.f32 [tilespmem:s28], [sflag:$0x3], $0x80, s26, s31, $0xb8;
	[tilespmem:$0x1E880] =	vst v63  }
0x60: {  	_ =	swait.ge [sflag:s6], $0x4000  }
0x61: {  	[sflag:s6] =	ssyncset.done $0x0  }
0x62: {  	s25 =	simm.s32 $0x1480;
	[sflag:s6] =	ssyncadd.s32 $0xFFFFC000  }
0x63: {  	[spmem:s2] =	stream.indirect.scatter.add.f32 [tilespmem:s0], [sflag:$0x4], $0x80, s25, s31, $0xb8;
	[tilespmem:$0x1E880] =	vst v63  }
0x64: {  	_ =	swait.ge [sflag:s13], $0x4000  }
0x65: {  	[sflag:s13] =	ssyncset.done $0x0  }
0x66: {  	s26 =	simm.s32 $0x100;
	[sflag:s13] =	ssyncadd.s32 $0xFFFFC000  }
0x67: {  	[tilespmem:s28], [sflag:$0x1] =	stream.indirect.gather [hbm4b:s1+s31], $0x80, s26, s31, $0xb8;
	[tilespmem:$0x1E880] =	vst v63  }
0x68: {  	_ =	swait.ge [sflag:s14], $0x4000  }
0x69: {  	[sflag:s14] =	ssyncset.done $0x0  }
0x6a: {  	s23 =	simm.s32 $0x400;
	s25 =	simm.s32 $0x180;
	[sflag:s14] =	ssyncadd.s32 $0xFFFFC000  }
.LBB2_2:
0x6b: {  	[tilespmem:s0], [sflag:$0x2] =	stream.indirect.gather [hbm4b:s1+s31], $0x80, s25, s31, $0xb8;
	[tilespmem:$0x1E880] =	vst v63  }
0x6c: {  	s25 =	smov.u32 s23  }
0x6d: {  	p0 =	sne.s32 s23, $0x4400;
	s23 =	sadd.s32 $0x400, s23;
	_ =	swait.ge [sflag:s4], $0x4000  }
0x6e: {  	s25 =	sshra.s32 s25, $0x2;
	[sflag:s4] =	ssyncset.done $0x0  }
0x6f: {  	s26 =	sadd.s32 $0x1400, s25;
	[sflag:s4] =	ssyncadd.s32 $0xFFFFC000  }
0x70: {  	[spmem:s2] =	stream.indirect.scatter.add.f32 [tilespmem:s28], [sflag:$0x3], $0x80, s26, s31, $0xb8;
	[tilespmem:$0x1E880] =	vst v63  }
0x71: {  	_ =	swait.ge [sflag:s6], $0x4000  }
0x72: {  	[sflag:s6] =	ssyncset.done $0x0  }
0x73: {  	s26 =	sadd.s32 $0x1480, s25;
	[sflag:s6] =	ssyncadd.s32 $0xFFFFC000  }
0x74: {  	[spmem:s2] =	stream.indirect.scatter.add.f32 [tilespmem:s0], [sflag:$0x4], $0x80, s26, s31, $0xb8;
	[tilespmem:$0x1E880] =	vst v63  }
0x75: {  	_ =	swait.ge [sflag:s13], $0x4000  }
0x76: {  	[sflag:s13] =	ssyncset.done $0x0  }
.Ltmp0:
0x77: {  	s26 =	sadd.s32 $0x100, s25;
	[sflag:s13] =	ssyncadd.s32 $0xFFFFC000;
	(pc) =	sbr.rel @p0 .LBB2_2-.Ltmp0, $4  }
0x78: {  	[tilespmem:s28], [sflag:$0x1] =	stream.indirect.gather [hbm4b:s1+s31], $0x80, s26, s31, $0xb8;
	[tilespmem:$0x1E880] =	vst v63  }
0x79: {  	_ =	swait.ge [sflag:s14], $0x4000  }
0x7a: {  	[sflag:s14] =	ssyncset.done $0x0  }
0x7b: {  	s25 =	sadd.s32 $0x180, s25;
	[sflag:s14] =	ssyncadd.s32 $0xFFFFC000  }
0x7c: {  	[tilespmem:s0], [sflag:$0x2] =	stream.indirect.gather [hbm4b:s1+s31], $0x80, s25, s31, $0xb8;
	[tilespmem:$0x1E880] =	vst v63  }
0x7d: {  	_ =	swait.ge [sflag:s4], $0x4000  }
0x7e: {  	[sflag:s4] =	ssyncset.done $0x0  }
0x7f: {  	[sflag:s4] =	ssyncadd.s32 $0xFFFFC000  }
0x80: {  	[spmem:s2] =	stream.indirect.scatter.add.f32 [tilespmem:s28], [sflag:$0x3], $0x80, s15, s31, $0xb8;
	[tilespmem:$0x1E880] =	vst v63  }
0x81: {  	_ =	swait.ge [sflag:s6], $0x4000  }
0x82: {  	[sflag:s6] =	ssyncset.done $0x0  }
0x83: {  	[sflag:s6] =	ssyncadd.s32 $0xFFFFC000  }
0x84: {  	[spmem:s2] =	stream.indirect.scatter.add.f32 [tilespmem:s0], [sflag:$0x4], $0x80, s16, s31, $0xb8;
	[tilespmem:$0x1E880] =	vst v63  }
0x85: {  	_ =	swait.ge [sflag:s13], $0x4000  }
0x86: {  	[sflag:s13] =	ssyncset.done $0x0  }
0x87: {  	s23 =	simm.s32 $0x1300;
	[sflag:s13] =	ssyncadd.s32 $0xFFFFC000  }
0x88: {  	[tilespmem:s28], [sflag:$0x1] =	stream.indirect.gather [hbm4b:s1+s31], $0x80, s23, s31, $0xb8;
	[tilespmem:$0x1E880] =	vst v63  }
0x89: {  	_ =	swait.ge [sflag:s14], $0x4000  }
0x8a: {  	[sflag:s14] =	ssyncset.done $0x0  }
0x8b: {  	[sflag:s14] =	ssyncadd.s32 $0xFFFFC000  }
0x8c: {  	[tilespmem:s0], [sflag:$0x2] =	stream.indirect.gather [hbm4b:s1+s31], $0x80, s19, s31, $0xb8;
	[tilespmem:$0x1E880] =	vst v63  }
0x8d: {  	_ =	swait.ge [sflag:s4], $0x4000  }
0x8e: {  	[sflag:s4] =	ssyncset.done $0x0  }
0x8f: {  	[sflag:s4] =	ssyncadd.s32 $0xFFFFC000  }
0x90: {  	[spmem:s2] =	stream.indirect.scatter.add.f32 [tilespmem:s28], [sflag:$0x3], $0x80, s20, s31, $0xb8;
	[tilespmem:$0x1E880] =	vst v63  }
0x91: {  	_ =	swait.ge [sflag:s6], $0x4000  }
0x92: {  	[sflag:s6] =	ssyncset.done $0x0  }
0x93: {  	[sflag:s6] =	ssyncadd.s32 $0xFFFFC000  }
0x94: {  	[spmem:s2] =	stream.indirect.scatter.add.f32 [tilespmem:s0], [sflag:$0x4], $0x80, s21, s31, $0xb8;
	[tilespmem:$0x1E880] =	vst v63  }
0x95: {  	_ =	swait.ge [sflag:s13], $0x4000  }
0x96: {  	[sflag:s13] =	ssyncset.done $0x0  }
0x97: {  	[sflag:s13] =	ssyncadd.s32 $0xFFFFC000  }
0x98: {  	[tilespmem:s28], [sflag:$0x1] =	stream.indirect.gather [hbm4b:s1+s31], $0x80, s19, s31, $0xb8;
	[tilespmem:$0x1E880] =	vst v63  }
0x99: {  	_ =	swait.ge [sflag:s14], $0x4000  }
0x9a: {  	[sflag:s14] =	ssyncset.done $0x0  }
0x9b: {  	[sflag:s14] =	ssyncadd.s32 $0xFFFFC000  }
0x9c: {  	[tilespmem:s0], [sflag:$0x2] =	stream.indirect.gather [hbm4b:s1+s31], $0x80, s19, s31, $0xb8;
	[tilespmem:$0x1E880] =	vst v63  }
0x9d: {  	_ =	swait.ge [sflag:s4], $0x4000  }
0x9e: {  	[sflag:s4] =	ssyncset.done $0x0  }
0x9f: {  	[sflag:s4] =	ssyncadd.s32 $0xFFFFC000  }
0xa0: {  	_ =	swait.ge [sflag:s6], $0x4000  }
0xa1: {  	[sflag:s6] =	ssyncset.done $0x0  }
0xa2: {  	s23 =	simm.s32 $0x0;
	s26 =	rddreg [dreg:$0x5];
	[sflag:s6] =	ssyncadd.s32 $0xFFFFC000  }
0xa3: {  	[tilespmem:s23], [sflag:$0x5] =	stream.linear.gather [hbm4b:s26+s23], $0x1400, $0x38;
	[tilespmem:$0x1E880] =	vst v63  }
0xa4: {  	_ =	swait.ge [sflag:s29], $0x1400  }
0xa5: {  	[sflag:s29] =	ssyncset.done $0x0  }
0xa6: {  	[sflag:s29] =	ssyncadd.s32 $0xFFFFEC00  }
0xa7: {  	[tilespmem:s17], [sflag:$0x5] =	stream.linear.gather [hbm4b:s7+s23], $0x1400, $0x38;
	[tilespmem:$0x1E880] =	vst v63  }
0xa8: {  	_ =	swait.ge [sflag:s29], $0x1400  }
0xa9: {  	[sflag:s29] =	ssyncset.done $0x0  }
0xaa: {  	[sflag:s29] =	ssyncadd.s32 $0xFFFFEC00  }
0xab: {  	[tilespmem:s28], [sflag:$0x1] =	stream.indirect.gather [hbm4b:s1+s31], $0x80, s23, s31, $0xb8;
	[tilespmem:$0x1E880] =	vst v63  }
0xac: {  	_ = 	snop  }
0xad: {  	[tilespmem:s0], [sflag:$0x2] =	stream.indirect.gather [hbm4b:s1+s31], $0x80, s31, s31, $0xb8;
	[tilespmem:$0x1E880] =	vst v63  }
0xae: {  	_ =	swait.ge [sflag:s4], $0x4000  }
0xaf: {  	[sflag:s4] =	ssyncset.done $0x0  }
0xb0: {  	s26 =	simm.s32 $0x1400;
	[sflag:s4] =	ssyncadd.s32 $0xFFFFC000  }
0xb1: {  	[spmem:s2] =	stream.indirect.scatter.add.f32 [tilespmem:s28], [sflag:$0x3], $0x80, s26, s31, $0xb8;
	[tilespmem:$0x1E880] =	vst v63  }
0xb2: {  	_ =	swait.ge [sflag:s6], $0x4000  }
0xb3: {  	[sflag:s6] =	ssyncset.done $0x0  }
0xb4: {  	s25 =	simm.s32 $0x1480;
	[sflag:s6] =	ssyncadd.s32 $0xFFFFC000  }
0xb5: {  	[spmem:s2] =	stream.indirect.scatter.add.f32 [tilespmem:s0], [sflag:$0x4], $0x80, s25, s31, $0xb8;
	[tilespmem:$0x1E880] =	vst v63  }
0xb6: {  	_ =	swait.ge [sflag:s13], $0x4000  }
0xb7: {  	[sflag:s13] =	ssyncset.done $0x0  }
0xb8: {  	s26 =	simm.s32 $0x100;
	[sflag:s13] =	ssyncadd.s32 $0xFFFFC000  }
0xb9: {  	[tilespmem:s28], [sflag:$0x1] =	stream.indirect.gather [hbm4b:s1+s31], $0x80, s26, s31, $0xb8;
	[tilespmem:$0x1E880] =	vst v63  }
0xba: {  	_ =	swait.ge [sflag:s14], $0x4000  }
0xbb: {  	[sflag:s14] =	ssyncset.done $0x0  }
0xbc: {  	s23 =	simm.s32 $0x400;
	s25 =	simm.s32 $0x180;
	[sflag:s14] =	ssyncadd.s32 $0xFFFFC000  }
.LBB2_4:
0xbd: {  	[tilespmem:s0], [sflag:$0x2] =	stream.indirect.gather [hbm4b:s1+s31], $0x80, s25, s31, $0xb8;
	[tilespmem:$0x1E880] =	vst v63  }
0xbe: {  	s25 =	smov.u32 s23  }
0xbf: {  	p0 =	sne.s32 s23, $0x4400;
	s23 =	sadd.s32 $0x400, s23;
	_ =	swait.ge [sflag:s4], $0x4000  }
0xc0: {  	s25 =	sshra.s32 s25, $0x2;
	[sflag:s4] =	ssyncset.done $0x0  }
0xc1: {  	s26 =	sadd.s32 $0x1400, s25;
	[sflag:s4] =	ssyncadd.s32 $0xFFFFC000  }
0xc2: {  	[spmem:s2] =	stream.indirect.scatter.add.f32 [tilespmem:s28], [sflag:$0x3], $0x80, s26, s31, $0xb8;
	[tilespmem:$0x1E880] =	vst v63  }
0xc3: {  	_ =	swait.ge [sflag:s6], $0x4000  }
0xc4: {  	[sflag:s6] =	ssyncset.done $0x0  }
0xc5: {  	s26 =	sadd.s32 $0x1480, s25;
	[sflag:s6] =	ssyncadd.s32 $0xFFFFC000  }
0xc6: {  	[spmem:s2] =	stream.indirect.scatter.add.f32 [tilespmem:s0], [sflag:$0x4], $0x80, s26, s31, $0xb8;
	[tilespmem:$0x1E880] =	vst v63  }
0xc7: {  	_ =	swait.ge [sflag:s13], $0x4000  }
0xc8: {  	[sflag:s13] =	ssyncset.done $0x0  }
.Ltmp1:
0xc9: {  	s26 =	sadd.s32 $0x100, s25;
	[sflag:s13] =	ssyncadd.s32 $0xFFFFC000;
	(pc) =	sbr.rel @p0 .LBB2_4-.Ltmp1, $4  }
0xca: {  	[tilespmem:s28], [sflag:$0x1] =	stream.indirect.gather [hbm4b:s1+s31], $0x80, s26, s31, $0xb8;
	[tilespmem:$0x1E880] =	vst v63  }
0xcb: {  	_ =	swait.ge [sflag:s14], $0x4000  }
0xcc: {  	[sflag:s14] =	ssyncset.done $0x0  }
0xcd: {  	s25 =	sadd.s32 $0x180, s25;
	[sflag:s14] =	ssyncadd.s32 $0xFFFFC000  }
0xce: {  	[tilespmem:s0], [sflag:$0x2] =	stream.indirect.gather [hbm4b:s1+s31], $0x80, s25, s31, $0xb8;
	[tilespmem:$0x1E880] =	vst v63  }
0xcf: {  	_ =	swait.ge [sflag:s4], $0x4000  }
0xd0: {  	[sflag:s4] =	ssyncset.done $0x0  }
0xd1: {  	[sflag:s4] =	ssyncadd.s32 $0xFFFFC000  }
0xd2: {  	[spmem:s2] =	stream.indirect.scatter.add.f32 [tilespmem:s28], [sflag:$0x3], $0x80, s15, s31, $0xb8;
	[tilespmem:$0x1E880] =	vst v63  }
0xd3: {  	_ =	swait.ge [sflag:s6], $0x4000  }
0xd4: {  	[sflag:s6] =	ssyncset.done $0x0  }
0xd5: {  	[sflag:s6] =	ssyncadd.s32 $0xFFFFC000  }
0xd6: {  	[spmem:s2] =	stream.indirect.scatter.add.f32 [tilespmem:s0], [sflag:$0x4], $0x80, s16, s31, $0xb8;
	[tilespmem:$0x1E880] =	vst v63  }
0xd7: {  	_ =	swait.ge [sflag:s13], $0x4000  }
0xd8: {  	[sflag:s13] =	ssyncset.done $0x0  }
0xd9: {  	s23 =	simm.s32 $0x1300;
	[sflag:s13] =	ssyncadd.s32 $0xFFFFC000  }
0xda: {  	[tilespmem:s28], [sflag:$0x1] =	stream.indirect.gather [hbm4b:s1+s31], $0x80, s23, s31, $0xb8;
	[tilespmem:$0x1E880] =	vst v63  }
0xdb: {  	_ =	swait.ge [sflag:s14], $0x4000  }
0xdc: {  	[sflag:s14] =	ssyncset.done $0x0  }
0xdd: {  	[sflag:s14] =	ssyncadd.s32 $0xFFFFC000  }
0xde: {  	[tilespmem:s0], [sflag:$0x2] =	stream.indirect.gather [hbm4b:s1+s31], $0x80, s19, s31, $0xb8;
	[tilespmem:$0x1E880] =	vst v63  }
0xdf: {  	_ =	swait.ge [sflag:s4], $0x4000  }
0xe0: {  	[sflag:s4] =	ssyncset.done $0x0  }
0xe1: {  	[sflag:s4] =	ssyncadd.s32 $0xFFFFC000  }
0xe2: {  	[spmem:s2] =	stream.indirect.scatter.add.f32 [tilespmem:s28], [sflag:$0x3], $0x80, s20, s31, $0xb8;
	[tilespmem:$0x1E880] =	vst v63  }
0xe3: {  	_ =	swait.ge [sflag:s6], $0x4000  }
0xe4: {  	[sflag:s6] =	ssyncset.done $0x0  }
0xe5: {  	[sflag:s6] =	ssyncadd.s32 $0xFFFFC000  }
0xe6: {  	[spmem:s2] =	stream.indirect.scatter.add.f32 [tilespmem:s0], [sflag:$0x4], $0x80, s21, s31, $0xb8;
	[tilespmem:$0x1E880] =	vst v63  }
0xe7: {  	_ =	swait.ge [sflag:s13], $0x4000  }
0xe8: {  	[sflag:s13] =	ssyncset.done $0x0  }
0xe9: {  	[sflag:s13] =	ssyncadd.s32 $0xFFFFC000  }
0xea: {  	[tilespmem:s28], [sflag:$0x1] =	stream.indirect.gather [hbm4b:s1+s31], $0x80, s19, s31, $0xb8;
	[tilespmem:$0x1E880] =	vst v63  }
0xeb: {  	_ =	swait.ge [sflag:s14], $0x4000  }
0xec: {  	[sflag:s14] =	ssyncset.done $0x0  }
0xed: {  	[sflag:s14] =	ssyncadd.s32 $0xFFFFC000  }
0xee: {  	[tilespmem:s0], [sflag:$0x2] =	stream.indirect.gather [hbm4b:s1+s31], $0x80, s19, s31, $0xb8;
	[tilespmem:$0x1E880] =	vst v63  }
0xef: {  	_ =	swait.ge [sflag:s4], $0x4000  }
0xf0: {  	[sflag:s4] =	ssyncset.done $0x0  }
0xf1: {  	[sflag:s4] =	ssyncadd.s32 $0xFFFFC000  }
0xf2: {  	_ =	swait.ge [sflag:s6], $0x4000  }
0xf3: {  	[sflag:s6] =	ssyncset.done $0x0  }
0xf4: {  	[sflag:s6] =	ssyncadd.s32 $0xFFFFC000  }
0xf5: {  	[bflag:$0x0] =	sbarrier.arrive $0xFFFF  }
0xf6: {  	[tilespmem:s30], [sflag:$0x5] =	stream.linear.gather [hbm4b:s8+s3], $0x80, $0x38;
	[tilespmem:$0x1E880] =	vst v63  }
0xf7: {  	_ =	swait.ge [sflag:s29], $0x80  }
0xf8: {  	[sflag:s29] =	ssyncset.done $0x0  }
0xf9: {  	[sflag:s29] =	ssyncadd.s32 $0xFFFFFF80  }
0xfa: {  	[tilespmem:s28], [sflag:$0x1] =	stream.indirect.gather [spmem:s2], $0x80, s30, s31, $0xb8;
	[tilespmem:$0x1E880] =	vst v63  }
0xfb: {  	_ =	swait.ge [sflag:s4], $0x4000  }
0xfc: {  	[sflag:s4] =	ssyncset.done $0x0  }
0xfd: {  	s25 =	rddreg [dreg:$0x6];
	[sflag:s4] =	ssyncadd.s32 $0xFFFFC000  }
0xfe: {  	[hbm4b:s25+s3] =	stream.linear.scatter [tilespmem:s28], [sflag:$0x5], $0x4000, $0x38;
	[tilespmem:$0x1E880] =	vst v63  }
0xff: {  	_ =	swait.ge [sflag:s29], $0x4000  }
0x100: {  	[sflag:s29] =	ssyncset.done $0x0  }
0x101: {  	[sflag:s29] =	ssyncadd.s32 $0xFFFFC000  }
0x102: {  	[tilespmem:s30], [sflag:$0x5] =	stream.linear.gather [hbm4b:s9+s3], $0x80, $0x38;
	[tilespmem:$0x1E880] =	vst v63  }
0x103: {  	_ =	swait.ge [sflag:s29], $0x80  }
0x104: {  	[sflag:s29] =	ssyncset.done $0x0  }
0x105: {  	[sflag:s29] =	ssyncadd.s32 $0xFFFFFF80  }
0x106: {  	[tilespmem:s28], [sflag:$0x1] =	stream.indirect.gather [spmem:s2], $0x80, s30, s31, $0xb8;
	[tilespmem:$0x1E880] =	vst v63  }
0x107: {  	_ =	swait.ge [sflag:s4], $0x4000  }
0x108: {  	[sflag:s4] =	ssyncset.done $0x0  }
0x109: {  	s26 =	rddreg [dreg:$0x7];
	[sflag:s4] =	ssyncadd.s32 $0xFFFFC000  }
0x10a: {  	[hbm4b:s26+s3] =	stream.linear.scatter [tilespmem:s28], [sflag:$0x5], $0x4000, $0x38;
	[tilespmem:$0x1E880] =	vst v63  }
0x10b: {  	_ =	swait.ge [sflag:s29], $0x4000  }
0x10c: {  	[sflag:s29] =	ssyncset.done $0x0  }
0x10d: {  	[sflag:s29] =	ssyncadd.s32 $0xFFFFC000  }
0x10e: {  	[tilespmem:s30], [sflag:$0x5] =	stream.linear.gather [hbm4b:s10+s3], $0x80, $0x38;
	[tilespmem:$0x1E880] =	vst v63  }
0x10f: {  	_ =	swait.ge [sflag:s29], $0x80  }
0x110: {  	[sflag:s29] =	ssyncset.done $0x0  }
0x111: {  	[sflag:s29] =	ssyncadd.s32 $0xFFFFFF80  }
0x112: {  	[tilespmem:s28], [sflag:$0x1] =	stream.indirect.gather [spmem:s2], $0x80, s30, s31, $0xb8;
	[tilespmem:$0x1E880] =	vst v63  }
0x113: {  	_ =	swait.ge [sflag:s4], $0x4000  }
0x114: {  	[sflag:s4] =	ssyncset.done $0x0  }
0x115: {  	s25 =	rddreg [dreg:$0x8];
	[sflag:s4] =	ssyncadd.s32 $0xFFFFC000  }
0x116: {  	[hbm4b:s25+s3] =	stream.linear.scatter [tilespmem:s28], [sflag:$0x5], $0x4000, $0x38;
	[tilespmem:$0x1E880] =	vst v63  }
0x117: {  	_ =	swait.ge [sflag:s29], $0x4000  }
0x118: {  	[sflag:s29] =	ssyncset.done $0x0  }
0x119: {  	[sflag:s29] =	ssyncadd.s32 $0xFFFFC000  }
0x11a: {  	[tilespmem:s30], [sflag:$0x5] =	stream.linear.gather [hbm4b:s11+s3], $0x80, $0x38;
	[tilespmem:$0x1E880] =	vst v63  }
0x11b: {  	_ =	swait.ge [sflag:s29], $0x80  }
0x11c: {  	[sflag:s29] =	ssyncset.done $0x0  }
0x11d: {  	[sflag:s29] =	ssyncadd.s32 $0xFFFFFF80  }
0x11e: {  	[tilespmem:s28], [sflag:$0x1] =	stream.indirect.gather [spmem:s2], $0x80, s30, s31, $0xb8;
	[tilespmem:$0x1E880] =	vst v63  }
0x11f: {  	_ =	swait.ge [sflag:s4], $0x4000  }
0x120: {  	[sflag:s4] =	ssyncset.done $0x0  }
0x121: {  	s26 =	rddreg [dreg:$0x9];
	[sflag:s4] =	ssyncadd.s32 $0xFFFFC000  }
0x122: {  	[hbm4b:s26+s3] =	stream.linear.scatter [tilespmem:s28], [sflag:$0x5], $0x4000, $0x38;
	[tilespmem:$0x1E880] =	vst v63  }
0x123: {  	_ =	swait.ge [sflag:s29], $0x4000  }
0x124: {  	[sflag:s29] =	ssyncset.done $0x0  }
0x125: {  	[sflag:s29] =	ssyncadd.s32 $0xFFFFC000  }
0x126: {  	[tilespmem:s30], [sflag:$0x5] =	stream.linear.gather [hbm4b:s12+s3], $0x80, $0x38;
	[tilespmem:$0x1E880] =	vst v63  }
0x127: {  	_ =	swait.ge [sflag:s29], $0x80  }
0x128: {  	[sflag:s29] =	ssyncset.done $0x0  }
0x129: {  	[sflag:s29] =	ssyncadd.s32 $0xFFFFFF80  }
0x12a: {  	[tilespmem:s28], [sflag:$0x1] =	stream.indirect.gather [spmem:s2], $0x80, s30, s31, $0xb8;
	[tilespmem:$0x1E880] =	vst v63  }
0x12b: {  	_ =	swait.ge [sflag:s4], $0x4000  }
0x12c: {  	[sflag:s4] =	ssyncset.done $0x0  }
0x12d: {  	s25 =	rddreg [dreg:$0xa];
	[sflag:s4] =	ssyncadd.s32 $0xFFFFC000  }
0x12e: {  	[hbm4b:s25+s3] =	stream.linear.scatter [tilespmem:s28], [sflag:$0x5], $0x4000, $0x38;
	[tilespmem:$0x1E880] =	vst v63  }
0x12f: {  	_ =	swait.ge [sflag:s29], $0x4000  }
0x130: {  	[sflag:s29] =	ssyncset.done $0x0  }
0x131: {  	[sflag:s29] =	ssyncadd.s32 $0xFFFFC000  }
0x132: {  	[bflag:$0x0] =	sbarrier.arrive $0xFFFF  }
0x133: {  	[tilespmem:s0], [sflag:$0x5] =	stream.linear.gather [hbm4b:s24+s3], $0x4000, $0x38;
	[tilespmem:$0x1E880] =	vst v63  }
0x134: {  	_ =	swait.ge [sflag:s29], $0x4000  }
0x135: {  	[sflag:s29] =	ssyncset.done $0x0  }
0x136: {  	[sflag:s29] =	ssyncadd.s32 $0xFFFFC000  }
0x137: {  	[tilespmem:s30], [sflag:$0x5] =	stream.linear.gather [hbm4b:s8+s3], $0x80, $0x38;
	[tilespmem:$0x1E880] =	vst v63  }
0x138: {  	_ =	swait.ge [sflag:s29], $0x80  }
0x139: {  	[sflag:s29] =	ssyncset.done $0x0  }
0x13a: {  	[sflag:s29] =	ssyncadd.s32 $0xFFFFFF80  }
0x13b: {  	[spmem:s2] =	stream.indirect.scatter [tilespmem:s0], [sflag:$0x5], $0x80, s30, s31, $0xb8;
	[tilespmem:$0x1E880] =	vst v63  }
0x13c: {  	_ =	swait.ge [sflag:s29], $0x4000  }
0x13d: {  	[sflag:s29] =	ssyncset.done $0x0  }
0x13e: {  	[sflag:s29] =	ssyncadd.s32 $0xFFFFC000  }
0x13f: {  	[tilespmem:s30], [sflag:$0x5] =	stream.linear.gather [hbm4b:s9+s3], $0x80, $0x38;
	[tilespmem:$0x1E880] =	vst v63  }
0x140: {  	_ =	swait.ge [sflag:s29], $0x80  }
0x141: {  	[sflag:s29] =	ssyncset.done $0x0  }
0x142: {  	[sflag:s29] =	ssyncadd.s32 $0xFFFFFF80  }
0x143: {  	[spmem:s2] =	stream.indirect.scatter [tilespmem:s0], [sflag:$0x5], $0x80, s30, s31, $0xb8;
	[tilespmem:$0x1E880] =	vst v63  }
0x144: {  	_ =	swait.ge [sflag:s29], $0x4000  }
0x145: {  	[sflag:s29] =	ssyncset.done $0x0  }
0x146: {  	[sflag:s29] =	ssyncadd.s32 $0xFFFFC000  }
0x147: {  	[tilespmem:s30], [sflag:$0x5] =	stream.linear.gather [hbm4b:s10+s3], $0x80, $0x38;
	[tilespmem:$0x1E880] =	vst v63  }
0x148: {  	_ =	swait.ge [sflag:s29], $0x80  }
0x149: {  	[sflag:s29] =	ssyncset.done $0x0  }
0x14a: {  	[sflag:s29] =	ssyncadd.s32 $0xFFFFFF80  }
0x14b: {  	[spmem:s2] =	stream.indirect.scatter [tilespmem:s0], [sflag:$0x5], $0x80, s30, s31, $0xb8;
	[tilespmem:$0x1E880] =	vst v63  }
0x14c: {  	_ =	swait.ge [sflag:s29], $0x4000  }
0x14d: {  	[sflag:s29] =	ssyncset.done $0x0  }
0x14e: {  	[sflag:s29] =	ssyncadd.s32 $0xFFFFC000  }
0x14f: {  	[tilespmem:s30], [sflag:$0x5] =	stream.linear.gather [hbm4b:s11+s3], $0x80, $0x38;
	[tilespmem:$0x1E880] =	vst v63  }
0x150: {  	_ =	swait.ge [sflag:s29], $0x80  }
0x151: {  	[sflag:s29] =	ssyncset.done $0x0  }
0x152: {  	[sflag:s29] =	ssyncadd.s32 $0xFFFFFF80  }
0x153: {  	[spmem:s2] =	stream.indirect.scatter [tilespmem:s0], [sflag:$0x5], $0x80, s30, s31, $0xb8;
	[tilespmem:$0x1E880] =	vst v63  }
0x154: {  	_ =	swait.ge [sflag:s29], $0x4000  }
0x155: {  	[sflag:s29] =	ssyncset.done $0x0  }
0x156: {  	[sflag:s29] =	ssyncadd.s32 $0xFFFFC000  }
0x157: {  	[tilespmem:s30], [sflag:$0x5] =	stream.linear.gather [hbm4b:s12+s3], $0x80, $0x38;
	[tilespmem:$0x1E880] =	vst v63  }
0x158: {  	_ =	swait.ge [sflag:s29], $0x80  }
0x159: {  	[sflag:s29] =	ssyncset.done $0x0  }
0x15a: {  	[sflag:s29] =	ssyncadd.s32 $0xFFFFFF80  }
0x15b: {  	[spmem:s2] =	stream.indirect.scatter [tilespmem:s0], [sflag:$0x5], $0x80, s30, s31, $0xb8;
	[tilespmem:$0x1E880] =	vst v63  }
0x15c: {  	_ =	swait.ge [sflag:s29], $0x4000  }
0x15d: {  	[sflag:s29] =	ssyncset.done $0x0  }
0x15e: {  	s26 =	rddreg [dreg:$0x10];
	[sflag:s29] =	ssyncadd.s32 $0xFFFFC000  }
0x15f: {  	[tilespmem:s28], [sflag:$0x5] =	stream.linear.gather [hbm4b:s26+s3], $0x4000, $0x38;
	[tilespmem:$0x1E880] =	vst v63  }
0x160: {  	_ =	swait.ge [sflag:s29], $0x4000  }
0x161: {  	[sflag:s29] =	ssyncset.done $0x0  }
0x162: {  	[sflag:s29] =	ssyncadd.s32 $0xFFFFC000  }
0x163: {  	[bflag:$0x0] =	sbarrier.arrive $0xFFFF  }
0x164: {  	[tilespmem:s17], [sflag:$0x5] =	stream.linear.gather [hbm4b:s5+s3], $0x1400, $0x38;
	[tilespmem:$0x1E880] =	vst v63  }
0x165: {  	_ =	swait.ge [sflag:s29], $0x1400  }
0x166: {  	[sflag:s29] =	ssyncset.done $0x0  }
0x167: {  	[sflag:s29] =	ssyncadd.s32 $0xFFFFEC00  }
0x168: {  	[spmem:s2] =	stream.indirect.scatter.add.f32 [tilespmem:s28], [sflag:$0x3], $0x80, s17, s31, $0xb8;
	[tilespmem:$0x1E880] =	vst v63  }
0x169: {  	s25 =	simm.s32 $0x1480  }
0x16a: {  	[spmem:s2] =	stream.indirect.scatter.add.f32 [tilespmem:s28], [sflag:$0x3], $0x80, s25, s31, $0xb8;
	[tilespmem:$0x1E880] =	vst v63  }
0x16b: {  	s26 =	simm.s32 $0x1500  }
0x16c: {  	[spmem:s2] =	stream.indirect.scatter.add.f32 [tilespmem:s28], [sflag:$0x3], $0x80, s26, s31, $0xb8;
	[tilespmem:$0x1E880] =	vst v63  }
0x16d: {  	s23 =	simm.s32 $0x1580  }
0x16e: {  	[spmem:s2] =	stream.indirect.scatter.add.f32 [tilespmem:s28], [sflag:$0x3], $0x80, s23, s31, $0xb8;
	[tilespmem:$0x1E880] =	vst v63  }
0x16f: {  	s23 =	simm.s32 $0x1600  }
0x170: {  	[spmem:s2] =	stream.indirect.scatter.add.f32 [tilespmem:s28], [sflag:$0x3], $0x80, s23, s31, $0xb8;
	[tilespmem:$0x1E880] =	vst v63  }
0x171: {  	s23 =	simm.s32 $0x1680  }
0x172: {  	[spmem:s2] =	stream.indirect.scatter.add.f32 [tilespmem:s28], [sflag:$0x3], $0x80, s23, s31, $0xb8;
	[tilespmem:$0x1E880] =	vst v63  }
0x173: {  	s23 =	simm.s32 $0x1700  }
0x174: {  	[spmem:s2] =	stream.indirect.scatter.add.f32 [tilespmem:s28], [sflag:$0x3], $0x80, s23, s31, $0xb8;
	[tilespmem:$0x1E880] =	vst v63  }
0x175: {  	s23 =	simm.s32 $0x1780  }
0x176: {  	[spmem:s2] =	stream.indirect.scatter.add.f32 [tilespmem:s28], [sflag:$0x3], $0x80, s23, s31, $0xb8;
	[tilespmem:$0x1E880] =	vst v63  }
0x177: {  	s23 =	simm.s32 $0x1800  }
0x178: {  	[spmem:s2] =	stream.indirect.scatter.add.f32 [tilespmem:s28], [sflag:$0x3], $0x80, s23, s31, $0xb8;
	[tilespmem:$0x1E880] =	vst v63  }
0x179: {  	s23 =	simm.s32 $0x1880  }
0x17a: {  	[spmem:s2] =	stream.indirect.scatter.add.f32 [tilespmem:s28], [sflag:$0x3], $0x80, s23, s31, $0xb8;
	[tilespmem:$0x1E880] =	vst v63  }
0x17b: {  	s23 =	simm.s32 $0x1900  }
0x17c: {  	[spmem:s2] =	stream.indirect.scatter.add.f32 [tilespmem:s28], [sflag:$0x3], $0x80, s23, s31, $0xb8;
	[tilespmem:$0x1E880] =	vst v63  }
0x17d: {  	s23 =	simm.s32 $0x1980  }
0x17e: {  	[spmem:s2] =	stream.indirect.scatter.add.f32 [tilespmem:s28], [sflag:$0x3], $0x80, s23, s31, $0xb8;
	[tilespmem:$0x1E880] =	vst v63  }
0x17f: {  	s23 =	simm.s32 $0x1A00  }
0x180: {  	[spmem:s2] =	stream.indirect.scatter.add.f32 [tilespmem:s28], [sflag:$0x3], $0x80, s23, s31, $0xb8;
	[tilespmem:$0x1E880] =	vst v63  }
0x181: {  	s23 =	simm.s32 $0x1A80  }
0x182: {  	[spmem:s2] =	stream.indirect.scatter.add.f32 [tilespmem:s28], [sflag:$0x3], $0x80, s23, s31, $0xb8;
	[tilespmem:$0x1E880] =	vst v63  }
0x183: {  	s23 =	simm.s32 $0x1B00  }
0x184: {  	[spmem:s2] =	stream.indirect.scatter.add.f32 [tilespmem:s28], [sflag:$0x3], $0x80, s23, s31, $0xb8;
	[tilespmem:$0x1E880] =	vst v63  }
0x185: {  	s23 =	simm.s32 $0x1B80  }
0x186: {  	[spmem:s2] =	stream.indirect.scatter.add.f32 [tilespmem:s28], [sflag:$0x3], $0x80, s23, s31, $0xb8;
	[tilespmem:$0x1E880] =	vst v63  }
0x187: {  	s23 =	simm.s32 $0x1C00  }
0x188: {  	[spmem:s2] =	stream.indirect.scatter.add.f32 [tilespmem:s28], [sflag:$0x3], $0x80, s23, s31, $0xb8;
	[tilespmem:$0x1E880] =	vst v63  }
0x189: {  	s23 =	simm.s32 $0x1C80  }
0x18a: {  	[spmem:s2] =	stream.indirect.scatter.add.f32 [tilespmem:s28], [sflag:$0x3], $0x80, s23, s31, $0xb8;
	[tilespmem:$0x1E880] =	vst v63  }
0x18b: {  	s23 =	simm.s32 $0x1D00  }
0x18c: {  	[spmem:s2] =	stream.indirect.scatter.add.f32 [tilespmem:s28], [sflag:$0x3], $0x80, s23, s31, $0xb8;
	[tilespmem:$0x1E880] =	vst v63  }
0x18d: {  	s23 =	simm.s32 $0x1D80  }
0x18e: {  	[spmem:s2] =	stream.indirect.scatter.add.f32 [tilespmem:s28], [sflag:$0x3], $0x80, s23, s31, $0xb8;
	[tilespmem:$0x1E880] =	vst v63  }
0x18f: {  	s23 =	simm.s32 $0x1E00  }
0x190: {  	[spmem:s2] =	stream.indirect.scatter.add.f32 [tilespmem:s28], [sflag:$0x3], $0x80, s23, s31, $0xb8;
	[tilespmem:$0x1E880] =	vst v63  }
0x191: {  	s23 =	simm.s32 $0x1E80  }
0x192: {  	[spmem:s2] =	stream.indirect.scatter.add.f32 [tilespmem:s28], [sflag:$0x3], $0x80, s23, s31, $0xb8;
	[tilespmem:$0x1E880] =	vst v63  }
0x193: {  	s23 =	simm.s32 $0x1F00  }
0x194: {  	[spmem:s2] =	stream.indirect.scatter.add.f32 [tilespmem:s28], [sflag:$0x3], $0x80, s23, s31, $0xb8;
	[tilespmem:$0x1E880] =	vst v63  }
0x195: {  	s23 =	simm.s32 $0x1F80  }
0x196: {  	[spmem:s2] =	stream.indirect.scatter.add.f32 [tilespmem:s28], [sflag:$0x3], $0x80, s23, s31, $0xb8;
	[tilespmem:$0x1E880] =	vst v63  }
0x197: {  	s23 =	simm.s32 $0x2000  }
0x198: {  	[spmem:s2] =	stream.indirect.scatter.add.f32 [tilespmem:s28], [sflag:$0x3], $0x80, s23, s31, $0xb8;
	[tilespmem:$0x1E880] =	vst v63  }
0x199: {  	s23 =	simm.s32 $0x2080  }
0x19a: {  	[spmem:s2] =	stream.indirect.scatter.add.f32 [tilespmem:s28], [sflag:$0x3], $0x80, s23, s31, $0xb8;
	[tilespmem:$0x1E880] =	vst v63  }
0x19b: {  	s23 =	simm.s32 $0x2100  }
0x19c: {  	[spmem:s2] =	stream.indirect.scatter.add.f32 [tilespmem:s28], [sflag:$0x3], $0x80, s23, s31, $0xb8;
	[tilespmem:$0x1E880] =	vst v63  }
0x19d: {  	s23 =	simm.s32 $0x2180  }
0x19e: {  	[spmem:s2] =	stream.indirect.scatter.add.f32 [tilespmem:s28], [sflag:$0x3], $0x80, s23, s31, $0xb8;
	[tilespmem:$0x1E880] =	vst v63  }
0x19f: {  	s23 =	simm.s32 $0x2200  }
0x1a0: {  	[spmem:s2] =	stream.indirect.scatter.add.f32 [tilespmem:s28], [sflag:$0x3], $0x80, s23, s31, $0xb8;
	[tilespmem:$0x1E880] =	vst v63  }
0x1a1: {  	s23 =	simm.s32 $0x2280  }
0x1a2: {  	[spmem:s2] =	stream.indirect.scatter.add.f32 [tilespmem:s28], [sflag:$0x3], $0x80, s23, s31, $0xb8;
	[tilespmem:$0x1E880] =	vst v63  }
0x1a3: {  	s23 =	simm.s32 $0x2300  }
0x1a4: {  	[spmem:s2] =	stream.indirect.scatter.add.f32 [tilespmem:s28], [sflag:$0x3], $0x80, s23, s31, $0xb8;
	[tilespmem:$0x1E880] =	vst v63  }
0x1a5: {  	s23 =	simm.s32 $0x2380  }
0x1a6: {  	[spmem:s2] =	stream.indirect.scatter.add.f32 [tilespmem:s28], [sflag:$0x3], $0x80, s23, s31, $0xb8;
	[tilespmem:$0x1E880] =	vst v63  }
0x1a7: {  	s23 =	simm.s32 $0x2400  }
0x1a8: {  	[spmem:s2] =	stream.indirect.scatter.add.f32 [tilespmem:s28], [sflag:$0x3], $0x80, s23, s31, $0xb8;
	[tilespmem:$0x1E880] =	vst v63  }
0x1a9: {  	s23 =	simm.s32 $0x2480  }
0x1aa: {  	[spmem:s2] =	stream.indirect.scatter.add.f32 [tilespmem:s28], [sflag:$0x3], $0x80, s23, s31, $0xb8;
	[tilespmem:$0x1E880] =	vst v63  }
0x1ab: {  	s23 =	simm.s32 $0x2500  }
0x1ac: {  	[spmem:s2] =	stream.indirect.scatter.add.f32 [tilespmem:s28], [sflag:$0x3], $0x80, s23, s31, $0xb8;
	[tilespmem:$0x1E880] =	vst v63  }
0x1ad: {  	_ = 	snop  }
0x1ae: {  	[spmem:s2] =	stream.indirect.scatter.add.f32 [tilespmem:s28], [sflag:$0x3], $0x80, s18, s31, $0xb8;
	[tilespmem:$0x1E880] =	vst v63  }
0x1af: {  	_ = 	snop  }
0x1b0: {  	[spmem:s2] =	stream.indirect.scatter.add.f32 [tilespmem:s28], [sflag:$0x3], $0x80, s15, s31, $0xb8;
	[tilespmem:$0x1E880] =	vst v63  }
0x1b1: {  	_ = 	snop  }
0x1b2: {  	[spmem:s2] =	stream.indirect.scatter.add.f32 [tilespmem:s28], [sflag:$0x3], $0x80, s16, s31, $0xb8;
	[tilespmem:$0x1E880] =	vst v63  }
0x1b3: {  	_ = 	snop  }
0x1b4: {  	[spmem:s2] =	stream.indirect.scatter.add.f32 [tilespmem:s28], [sflag:$0x3], $0x80, s20, s31, $0xb8;
	[tilespmem:$0x1E880] =	vst v63  }
0x1b5: {  	_ = 	snop  }
0x1b6: {  	[spmem:s2] =	stream.indirect.scatter.add.f32 [tilespmem:s28], [sflag:$0x3], $0x80, s21, s31, $0xb8;
	[tilespmem:$0x1E880] =	vst v63  }
0x1b7: {  	_ =	swait.ge [sflag:s13], $0x4000  }
0x1b8: {  	s23 =	simm.s32 $0x27;
	[sflag:s13] =	ssyncset.done $0x0  }
.LBB2_6:
0x1b9: {  	p0 =	sne.s32 s23, $0x1;
	s23 =	sadd.s32 $0xFFFFFFFF, s23;
	[sflag:s13] =	ssyncadd.s32 $0xFFFFC000  }
.Ltmp2:
0x1ba: {  	(pc) =	sbr.rel @p0 .LBB2_6-.Ltmp2, $3  }
0x1bb: {  	_ =	sdelay $0x1  }
0x1bc: {  	_ =	swait.ge [sflag:s13], $0x4000  }
0x1bd: {  	[sflag:s13] =	ssyncset.done $0x0  }
0x1be: {  	[sflag:s13] =	ssyncadd.s32 $0xFFFFC000  }
0x1bf: {  	[tilespmem:s17], [sflag:$0x5] =	stream.linear.gather [hbm4b:s7+s3], $0x1400, $0x38;
	[tilespmem:$0x1E880] =	vst v63  }
0x1c0: {  	_ =	swait.ge [sflag:s29], $0x1400  }
0x1c1: {  	[sflag:s29] =	ssyncset.done $0x0  }
0x1c2: {  	[sflag:s29] =	ssyncadd.s32 $0xFFFFEC00  }
0x1c3: {  	[spmem:s2] =	stream.indirect.scatter.add.f32 [tilespmem:s28], [sflag:$0x3], $0x80, s17, s31, $0xb8;
	[tilespmem:$0x1E880] =	vst v63  }
0x1c4: {  	_ = 	snop  }
0x1c5: {  	[spmem:s2] =	stream.indirect.scatter.add.f32 [tilespmem:s28], [sflag:$0x3], $0x80, s25, s31, $0xb8;
	[tilespmem:$0x1E880] =	vst v63  }
0x1c6: {  	_ = 	snop  }
0x1c7: {  	[spmem:s2] =	stream.indirect.scatter.add.f32 [tilespmem:s28], [sflag:$0x3], $0x80, s26, s31, $0xb8;
	[tilespmem:$0x1E880] =	vst v63  }
0x1c8: {  	s23 =	simm.s32 $0x1580  }
0x1c9: {  	[spmem:s2] =	stream.indirect.scatter.add.f32 [tilespmem:s28], [sflag:$0x3], $0x80, s23, s31, $0xb8;
	[tilespmem:$0x1E880] =	vst v63  }
0x1ca: {  	s26 =	simm.s32 $0x1600  }
0x1cb: {  	[spmem:s2] =	stream.indirect.scatter.add.f32 [tilespmem:s28], [sflag:$0x3], $0x80, s26, s31, $0xb8;
	[tilespmem:$0x1E880] =	vst v63  }
0x1cc: {  	s25 =	simm.s32 $0x1680  }
0x1cd: {  	[spmem:s2] =	stream.indirect.scatter.add.f32 [tilespmem:s28], [sflag:$0x3], $0x80, s25, s31, $0xb8;
	[tilespmem:$0x1E880] =	vst v63  }
0x1ce: {  	s26 =	simm.s32 $0x1700  }
0x1cf: {  	[spmem:s2] =	stream.indirect.scatter.add.f32 [tilespmem:s28], [sflag:$0x3], $0x80, s26, s31, $0xb8;
	[tilespmem:$0x1E880] =	vst v63  }
0x1d0: {  	s25 =	simm.s32 $0x1780  }
0x1d1: {  	[spmem:s2] =	stream.indirect.scatter.add.f32 [tilespmem:s28], [sflag:$0x3], $0x80, s25, s31, $0xb8;
	[tilespmem:$0x1E880] =	vst v63  }
0x1d2: {  	s26 =	simm.s32 $0x1800  }
0x1d3: {  	[spmem:s2] =	stream.indirect.scatter.add.f32 [tilespmem:s28], [sflag:$0x3], $0x80, s26, s31, $0xb8;
	[tilespmem:$0x1E880] =	vst v63  }
0x1d4: {  	s25 =	simm.s32 $0x1880  }
0x1d5: {  	[spmem:s2] =	stream.indirect.scatter.add.f32 [tilespmem:s28], [sflag:$0x3], $0x80, s25, s31, $0xb8;
	[tilespmem:$0x1E880] =	vst v63  }
0x1d6: {  	s26 =	simm.s32 $0x1900  }
0x1d7: {  	[spmem:s2] =	stream.indirect.scatter.add.f32 [tilespmem:s28], [sflag:$0x3], $0x80, s26, s31, $0xb8;
	[tilespmem:$0x1E880] =	vst v63  }
0x1d8: {  	s25 =	simm.s32 $0x1980  }
0x1d9: {  	[spmem:s2] =	stream.indirect.scatter.add.f32 [tilespmem:s28], [sflag:$0x3], $0x80, s25, s31, $0xb8;
	[tilespmem:$0x1E880] =	vst v63  }
0x1da: {  	s26 =	simm.s32 $0x1A00  }
0x1db: {  	[spmem:s2] =	stream.indirect.scatter.add.f32 [tilespmem:s28], [sflag:$0x3], $0x80, s26, s31, $0xb8;
	[tilespmem:$0x1E880] =	vst v63  }
0x1dc: {  	s25 =	simm.s32 $0x1A80  }
0x1dd: {  	[spmem:s2] =	stream.indirect.scatter.add.f32 [tilespmem:s28], [sflag:$0x3], $0x80, s25, s31, $0xb8;
	[tilespmem:$0x1E880] =	vst v63  }
0x1de: {  	s26 =	simm.s32 $0x1B00  }
0x1df: {  	[spmem:s2] =	stream.indirect.scatter.add.f32 [tilespmem:s28], [sflag:$0x3], $0x80, s26, s31, $0xb8;
	[tilespmem:$0x1E880] =	vst v63  }
0x1e0: {  	s25 =	simm.s32 $0x1B80  }
0x1e1: {  	[spmem:s2] =	stream.indirect.scatter.add.f32 [tilespmem:s28], [sflag:$0x3], $0x80, s25, s31, $0xb8;
	[tilespmem:$0x1E880] =	vst v63  }
0x1e2: {  	s26 =	simm.s32 $0x1C00  }
0x1e3: {  	[spmem:s2] =	stream.indirect.scatter.add.f32 [tilespmem:s28], [sflag:$0x3], $0x80, s26, s31, $0xb8;
	[tilespmem:$0x1E880] =	vst v63  }
0x1e4: {  	s25 =	simm.s32 $0x1C80  }
0x1e5: {  	[spmem:s2] =	stream.indirect.scatter.add.f32 [tilespmem:s28], [sflag:$0x3], $0x80, s25, s31, $0xb8;
	[tilespmem:$0x1E880] =	vst v63  }
0x1e6: {  	s26 =	simm.s32 $0x1D00  }
0x1e7: {  	[spmem:s2] =	stream.indirect.scatter.add.f32 [tilespmem:s28], [sflag:$0x3], $0x80, s26, s31, $0xb8;
	[tilespmem:$0x1E880] =	vst v63  }
0x1e8: {  	s25 =	simm.s32 $0x1D80  }
0x1e9: {  	[spmem:s2] =	stream.indirect.scatter.add.f32 [tilespmem:s28], [sflag:$0x3], $0x80, s25, s31, $0xb8;
	[tilespmem:$0x1E880] =	vst v63  }
0x1ea: {  	s26 =	simm.s32 $0x1E00  }
0x1eb: {  	[spmem:s2] =	stream.indirect.scatter.add.f32 [tilespmem:s28], [sflag:$0x3], $0x80, s26, s31, $0xb8;
	[tilespmem:$0x1E880] =	vst v63  }
0x1ec: {  	s25 =	simm.s32 $0x1E80  }
0x1ed: {  	[spmem:s2] =	stream.indirect.scatter.add.f32 [tilespmem:s28], [sflag:$0x3], $0x80, s25, s31, $0xb8;
	[tilespmem:$0x1E880] =	vst v63  }
0x1ee: {  	s26 =	simm.s32 $0x1F00  }
0x1ef: {  	[spmem:s2] =	stream.indirect.scatter.add.f32 [tilespmem:s28], [sflag:$0x3], $0x80, s26, s31, $0xb8;
	[tilespmem:$0x1E880] =	vst v63  }
0x1f0: {  	s25 =	simm.s32 $0x1F80  }
0x1f1: {  	[spmem:s2] =	stream.indirect.scatter.add.f32 [tilespmem:s28], [sflag:$0x3], $0x80, s25, s31, $0xb8;
	[tilespmem:$0x1E880] =	vst v63  }
0x1f2: {  	s26 =	simm.s32 $0x2000  }
0x1f3: {  	[spmem:s2] =	stream.indirect.scatter.add.f32 [tilespmem:s28], [sflag:$0x3], $0x80, s26, s31, $0xb8;
	[tilespmem:$0x1E880] =	vst v63  }
0x1f4: {  	s25 =	simm.s32 $0x2080  }
0x1f5: {  	[spmem:s2] =	stream.indirect.scatter.add.f32 [tilespmem:s28], [sflag:$0x3], $0x80, s25, s31, $0xb8;
	[tilespmem:$0x1E880] =	vst v63  }
0x1f6: {  	s26 =	simm.s32 $0x2100  }
0x1f7: {  	[spmem:s2] =	stream.indirect.scatter.add.f32 [tilespmem:s28], [sflag:$0x3], $0x80, s26, s31, $0xb8;
	[tilespmem:$0x1E880] =	vst v63  }
0x1f8: {  	s25 =	simm.s32 $0x2180  }
0x1f9: {  	[spmem:s2] =	stream.indirect.scatter.add.f32 [tilespmem:s28], [sflag:$0x3], $0x80, s25, s31, $0xb8;
	[tilespmem:$0x1E880] =	vst v63  }
0x1fa: {  	s26 =	simm.s32 $0x2200  }
0x1fb: {  	[spmem:s2] =	stream.indirect.scatter.add.f32 [tilespmem:s28], [sflag:$0x3], $0x80, s26, s31, $0xb8;
	[tilespmem:$0x1E880] =	vst v63  }
0x1fc: {  	s25 =	simm.s32 $0x2280  }
0x1fd: {  	[spmem:s2] =	stream.indirect.scatter.add.f32 [tilespmem:s28], [sflag:$0x3], $0x80, s25, s31, $0xb8;
	[tilespmem:$0x1E880] =	vst v63  }
0x1fe: {  	s26 =	simm.s32 $0x2300  }
0x1ff: {  	[spmem:s2] =	stream.indirect.scatter.add.f32 [tilespmem:s28], [sflag:$0x3], $0x80, s26, s31, $0xb8;
	[tilespmem:$0x1E880] =	vst v63  }
0x200: {  	s25 =	simm.s32 $0x2380  }
0x201: {  	[spmem:s2] =	stream.indirect.scatter.add.f32 [tilespmem:s28], [sflag:$0x3], $0x80, s25, s31, $0xb8;
	[tilespmem:$0x1E880] =	vst v63  }
0x202: {  	s26 =	simm.s32 $0x2400  }
0x203: {  	[spmem:s2] =	stream.indirect.scatter.add.f32 [tilespmem:s28], [sflag:$0x3], $0x80, s26, s31, $0xb8;
	[tilespmem:$0x1E880] =	vst v63  }
0x204: {  	s25 =	simm.s32 $0x2480  }
0x205: {  	[spmem:s2] =	stream.indirect.scatter.add.f32 [tilespmem:s28], [sflag:$0x3], $0x80, s25, s31, $0xb8;
	[tilespmem:$0x1E880] =	vst v63  }
0x206: {  	s26 =	simm.s32 $0x2500  }
0x207: {  	[spmem:s2] =	stream.indirect.scatter.add.f32 [tilespmem:s28], [sflag:$0x3], $0x80, s26, s31, $0xb8;
	[tilespmem:$0x1E880] =	vst v63  }
0x208: {  	_ = 	snop  }
0x209: {  	[spmem:s2] =	stream.indirect.scatter.add.f32 [tilespmem:s28], [sflag:$0x3], $0x80, s18, s31, $0xb8;
	[tilespmem:$0x1E880] =	vst v63  }
0x20a: {  	_ = 	snop  }
0x20b: {  	[spmem:s2] =	stream.indirect.scatter.add.f32 [tilespmem:s28], [sflag:$0x3], $0x80, s15, s31, $0xb8;
	[tilespmem:$0x1E880] =	vst v63  }
0x20c: {  	_ = 	snop  }
0x20d: {  	[spmem:s2] =	stream.indirect.scatter.add.f32 [tilespmem:s28], [sflag:$0x3], $0x80, s16, s31, $0xb8;
	[tilespmem:$0x1E880] =	vst v63  }
0x20e: {  	_ = 	snop  }
0x20f: {  	[spmem:s2] =	stream.indirect.scatter.add.f32 [tilespmem:s28], [sflag:$0x3], $0x80, s20, s31, $0xb8;
	[tilespmem:$0x1E880] =	vst v63  }
0x210: {  	_ = 	snop  }
0x211: {  	[spmem:s2] =	stream.indirect.scatter.add.f32 [tilespmem:s28], [sflag:$0x3], $0x80, s21, s31, $0xb8;
	[tilespmem:$0x1E880] =	vst v63  }
0x212: {  	_ =	swait.ge [sflag:s13], $0x4000  }
0x213: {  	s23 =	simm.s32 $0x27;
	[sflag:s13] =	ssyncset.done $0x0  }
.LBB2_8:
0x214: {  	p0 =	sne.s32 s23, $0x1;
	s23 =	sadd.s32 $0xFFFFFFFF, s23;
	[sflag:s13] =	ssyncadd.s32 $0xFFFFC000  }
.Ltmp3:
0x215: {  	(pc) =	sbr.rel @p0 .LBB2_8-.Ltmp3, $3  }
0x216: {  	_ =	sdelay $0x1  }
0x217: {  	_ =	swait.ge [sflag:s13], $0x4000  }
0x218: {  	[sflag:s13] =	ssyncset.done $0x0  }
0x219: {  	[sflag:s13] =	ssyncadd.s32 $0xFFFFC000  }
0x21a: {  	[bflag:$0x0] =	sbarrier.arrive $0xFFFF  }
0x21b: {  	[tilespmem:s30], [sflag:$0x5] =	stream.linear.gather [hbm4b:s8+s3], $0x80, $0x38;
	[tilespmem:$0x1E880] =	vst v63  }
0x21c: {  	_ =	swait.ge [sflag:s29], $0x80  }
0x21d: {  	[sflag:s29] =	ssyncset.done $0x0  }
0x21e: {  	[sflag:s29] =	ssyncadd.s32 $0xFFFFFF80  }
0x21f: {  	[tilespmem:s0], [sflag:$0x1] =	stream.indirect.gather [spmem:s2], $0x80, s30, s31, $0xb8;
	[tilespmem:$0x1E880] =	vst v63  }
0x220: {  	_ =	swait.ge [sflag:s4], $0x4000  }
0x221: {  	[sflag:s4] =	ssyncset.done $0x0  }
0x222: {  	s23 =	rddreg [dreg:$0xb];
	[sflag:s4] =	ssyncadd.s32 $0xFFFFC000  }
0x223: {  	[hbm4b:s23+s3] =	stream.linear.scatter [tilespmem:s0], [sflag:$0x5], $0x4000, $0x38;
	[tilespmem:$0x1E880] =	vst v63  }
0x224: {  	_ =	swait.ge [sflag:s29], $0x4000  }
0x225: {  	[sflag:s29] =	ssyncset.done $0x0  }
0x226: {  	[sflag:s29] =	ssyncadd.s32 $0xFFFFC000  }
0x227: {  	[tilespmem:s30], [sflag:$0x5] =	stream.linear.gather [hbm4b:s9+s3], $0x80, $0x38;
	[tilespmem:$0x1E880] =	vst v63  }
0x228: {  	_ =	swait.ge [sflag:s29], $0x80  }
0x229: {  	[sflag:s29] =	ssyncset.done $0x0  }
0x22a: {  	[sflag:s29] =	ssyncadd.s32 $0xFFFFFF80  }
0x22b: {  	[tilespmem:s0], [sflag:$0x1] =	stream.indirect.gather [spmem:s2], $0x80, s30, s31, $0xb8;
	[tilespmem:$0x1E880] =	vst v63  }
0x22c: {  	_ =	swait.ge [sflag:s4], $0x4000  }
0x22d: {  	[sflag:s4] =	ssyncset.done $0x0  }
0x22e: {  	s26 =	rddreg [dreg:$0xc];
	[sflag:s4] =	ssyncadd.s32 $0xFFFFC000  }
0x22f: {  	[hbm4b:s26+s3] =	stream.linear.scatter [tilespmem:s0], [sflag:$0x5], $0x4000, $0x38;
	[tilespmem:$0x1E880] =	vst v63  }
0x230: {  	_ =	swait.ge [sflag:s29], $0x4000  }
0x231: {  	[sflag:s29] =	ssyncset.done $0x0  }
0x232: {  	[sflag:s29] =	ssyncadd.s32 $0xFFFFC000  }
0x233: {  	[tilespmem:s30], [sflag:$0x5] =	stream.linear.gather [hbm4b:s10+s3], $0x80, $0x38;
	[tilespmem:$0x1E880] =	vst v63  }
0x234: {  	_ =	swait.ge [sflag:s29], $0x80  }
0x235: {  	[sflag:s29] =	ssyncset.done $0x0  }
0x236: {  	[sflag:s29] =	ssyncadd.s32 $0xFFFFFF80  }
0x237: {  	[tilespmem:s0], [sflag:$0x1] =	stream.indirect.gather [spmem:s2], $0x80, s30, s31, $0xb8;
	[tilespmem:$0x1E880] =	vst v63  }
0x238: {  	_ =	swait.ge [sflag:s4], $0x4000  }
0x239: {  	[sflag:s4] =	ssyncset.done $0x0  }
0x23a: {  	s25 =	rddreg [dreg:$0xd];
	[sflag:s4] =	ssyncadd.s32 $0xFFFFC000  }
0x23b: {  	[hbm4b:s25+s3] =	stream.linear.scatter [tilespmem:s0], [sflag:$0x5], $0x4000, $0x38;
	[tilespmem:$0x1E880] =	vst v63  }
0x23c: {  	_ =	swait.ge [sflag:s29], $0x4000  }
0x23d: {  	[sflag:s29] =	ssyncset.done $0x0  }
0x23e: {  	[sflag:s29] =	ssyncadd.s32 $0xFFFFC000  }
0x23f: {  	[tilespmem:s30], [sflag:$0x5] =	stream.linear.gather [hbm4b:s11+s3], $0x80, $0x38;
	[tilespmem:$0x1E880] =	vst v63  }
0x240: {  	_ =	swait.ge [sflag:s29], $0x80  }
0x241: {  	[sflag:s29] =	ssyncset.done $0x0  }
0x242: {  	[sflag:s29] =	ssyncadd.s32 $0xFFFFFF80  }
0x243: {  	[tilespmem:s0], [sflag:$0x1] =	stream.indirect.gather [spmem:s2], $0x80, s30, s31, $0xb8;
	[tilespmem:$0x1E880] =	vst v63  }
0x244: {  	_ =	swait.ge [sflag:s4], $0x4000  }
0x245: {  	[sflag:s4] =	ssyncset.done $0x0  }
0x246: {  	s26 =	rddreg [dreg:$0xe];
	[sflag:s4] =	ssyncadd.s32 $0xFFFFC000  }
0x247: {  	[hbm4b:s26+s3] =	stream.linear.scatter [tilespmem:s0], [sflag:$0x5], $0x4000, $0x38;
	[tilespmem:$0x1E880] =	vst v63  }
0x248: {  	_ =	swait.ge [sflag:s29], $0x4000  }
0x249: {  	[sflag:s29] =	ssyncset.done $0x0  }
0x24a: {  	[sflag:s29] =	ssyncadd.s32 $0xFFFFC000  }
0x24b: {  	[tilespmem:s30], [sflag:$0x5] =	stream.linear.gather [hbm4b:s12+s3], $0x80, $0x38;
	[tilespmem:$0x1E880] =	vst v63  }
0x24c: {  	_ =	swait.ge [sflag:s29], $0x80  }
0x24d: {  	[sflag:s29] =	ssyncset.done $0x0  }
0x24e: {  	[sflag:s29] =	ssyncadd.s32 $0xFFFFFF80  }
0x24f: {  	[tilespmem:s0], [sflag:$0x1] =	stream.indirect.gather [spmem:s2], $0x80, s30, s31, $0xb8;
	[tilespmem:$0x1E880] =	vst v63  }
0x250: {  	_ =	swait.ge [sflag:s4], $0x4000  }
0x251: {  	[sflag:s4] =	ssyncset.done $0x0  }
0x252: {  	s25 =	rddreg [dreg:$0xf];
	[sflag:s4] =	ssyncadd.s32 $0xFFFFC000  }
0x253: {  	[hbm4b:s25+s3] =	stream.linear.scatter [tilespmem:s0], [sflag:$0x5], $0x4000, $0x38;
	[tilespmem:$0x1E880] =	vst v63  }
0x254: {  	_ =	swait.ge [sflag:s29], $0x4000  }
0x255: {  	s22 =	sadd.s32 $0x1, s22;
	s26 =	rddreg [dreg:$0x11]  }
0x256: {  	p0 =	sne.s32 s22, s26  }
.Ltmp4:
0x257: {  	_ = 	snop;
	(pc) =	sbr.rel @p0 .LBB2_1-.Ltmp4, $3  }
0x258: {  	_ =	sdelay $0x1  }
0x259: {  	[sflag:s29] =	ssyncset.done $0x0  }
0x25a: {  	[sflag:s29] =	ssyncadd.s32 $0xFFFFC000  }
0x25b: {  	_ =	sfence.sel $0x180000  }
0x25c: {  	[bflag:$0x0] =	sbarrier.arrive $0xFFFF  }
0x25d: {  	_ =	strace $0x90000047  }
0x25e: {  	s0 =	stileid.u32;
	[bflag:$0x2] =	sbarrier.arrive $0xFFFF  }
0x25f: {  	p0 =	sne.s32 s0, $0x0;
	s0 =	rddreg [dreg:$0x3]  }
0x260: {  	s0 =	sadd.s32 @!p0 $0x100000, s0  }
0x261: {  	[sflag:s0] =	ssyncadd.tile.s32 @!p0 $0x1;
	_ =	shalt  }
.Lfunc_end2:
_tile_overlayer_lowered:
.L_overlay_start_2:
0x262: {  	(tag) =	ssettag $0x2  }
0x263: {  	s0 =	rddreg [dreg:$0x0];
	s2 =	stileid.u32  }
0x264: {  	s1 =	rddreg [dreg:$0x1];
	p0 =	sne.s32 s2, $0x0  }
0x265: {  	s3 =	rddreg [dreg:$0x2];
	[bflag:$0x3] =	sbarrier.arrive $0xFFFF;
	s2 =	simm.s32 @!p0 $0x1C05  }
0x266: {  	[timem:s3], [sflag:s2] =	dma.local @!p0 [hbm:s0], s1  }
0x267: {  	s0 =	simm.s32 @!p0 $0x5  }
0x268: {  	_ =	swait.ge @!p0 [sflag:s0], s1  }
0x269: {  	s1 =	ssub.s32 @!p0 $0x0, s1;
	[sflag:s0] =	ssyncset.done @!p0 $0x0  }
0x26a: {  	[sflag:s0] =	ssyncadd.s32 @!p0 s1  }
0x26b: {  	[bflag:$0x3] =	sbarrier.arrive $0xFFFF  }
0x26c: {  	_ =	shalt  }

</sc_bundles>
